<compile_context>
chip_gen: v7x
topology: tpu7x:2x2x1
jax: 0.10.2.dev20260603
libtpu: 0.0.44.dev20260713+nightly
codegen_flags: <defaults>
</compile_context>

<pallas_src>
import functools

import jax
import jax.numpy as jnp
from jax import lax
from jax.experimental import pallas as pl
from jax.experimental.pallas import tpu as pltpu
from jax.experimental.pallas import tpu_sc as plsc

_NUM_CORES = 2
_NUM_SUBCORES = 16
_NUM_WORKERS = _NUM_CORES * _NUM_SUBCORES

_CHUNK = 40
_NBUF = 10


@functools.partial(jax.jit, static_argnames=("n", "d"))
def _gather_rows(ids_flat, table, n, d):
    v = table.shape[0]
    n_per_w = n // _NUM_WORKERS
    n_chunks = n_per_w // _CHUNK
    n_groups = n_chunks // _NBUF
    mesh = plsc.VectorSubcoreMesh(core_axis_name="c", subcore_axis_name="s")

    scratch = (
        [pltpu.VMEM_SHARED((v, d), jnp.float32)]
        + [pltpu.VMEM((n_per_w,), jnp.int32)]
        + [pltpu.VMEM((_CHUNK, d), jnp.float32) for _ in range(_NBUF)]
        + [pltpu.SemaphoreType.DMA for _ in range(2 * _NBUF)]
    )

    @functools.partial(
        pl.kernel,
        mesh=mesh,
        out_type=jax.ShapeDtypeStruct((n, d), jnp.float32),
        scratch_types=scratch,
    )
    def k(ids_hbm, table_hbm, out_hbm, table_sh, idx_all, *refs):
        rows = refs[:_NBUF]
        gsem = refs[_NBUF : 2 * _NBUF]
        osem = refs[2 * _NBUF : 3 * _NBUF]
        sid = lax.axis_index("s")
        wid = sid * _NUM_CORES + lax.axis_index("c")
        base = wid * n_per_w

        @pl.when(sid == 0)
        def _():
            pltpu.sync_copy(table_hbm, table_sh)

        pltpu.sync_copy(ids_hbm.at[pl.ds(base, n_per_w)], idx_all)

        plsc.subcore_barrier()

        for b in range(_NBUF):
            loff = b * _CHUNK
            pltpu.async_copy(
                table_sh.at[idx_all.at[pl.ds(loff, _CHUNK)]], rows[b], gsem[b]
            )

        def body(p, carry):
            gloff = p * (_NBUF * _CHUNK)
            for b in range(_NBUF):
                loff = gloff + b * _CHUNK
                pltpu.make_async_copy(
                    table_sh.at[idx_all.at[pl.ds(loff, _CHUNK)]], rows[b], gsem[b]
                ).wait()
                pltpu.async_copy(
                    rows[b], out_hbm.at[pl.ds(base + loff, _CHUNK)], osem[b]
                )

            @pl.when(p < n_groups - 1)
            def _():
                for b in range(_NBUF):
                    loff = gloff + b * _CHUNK
                    nxt = loff + _NBUF * _CHUNK
                    pltpu.make_async_copy(
                        rows[b], out_hbm.at[pl.ds(base + loff, _CHUNK)], osem[b]
                    ).wait()
                    pltpu.async_copy(
                        table_sh.at[idx_all.at[pl.ds(nxt, _CHUNK)]], rows[b], gsem[b]
                    )

            return carry

        lax.fori_loop(0, n_groups, body, 0)

        gloff = (n_groups - 1) * (_NBUF * _CHUNK)
        for b in range(_NBUF):
            loff = gloff + b * _CHUNK
            pltpu.make_async_copy(
                rows[b], out_hbm.at[pl.ds(base + loff, _CHUNK)], osem[b]
            ).wait()

    return k(ids_flat, table)


def kernel(phoneme_ids, table):
    b, s = phoneme_ids.shape
    n = b * s
    d = table.shape[1]
    ids_flat = phoneme_ids.reshape(n).astype(jnp.int32)
    out = _gather_rows(ids_flat, table, n, d)
    return out.reshape(b, s, d)

# --- scband reference (transcript-rebuilt; emitter-appended) ---
"""Pipeline reference for scband-espeak-phoneme-conditioner-14422500180078 (READ-ONLY COPY).

The authoritative reference and input builder live on the scoring server;
editing this copy changes nothing except your own understanding.
"""

import jax, jax.numpy as jnp
import numpy as np

VOCAB = 189  # len(SPECIAL_TOKEN_IDS)=4 + len(symbols)=185 (24 punctuation + 52 letters + 109 IPA)
OUTPUT_DIM = 128
BATCH = 1024
SEQ = 200


def setup_inputs(seed: int = 0) -> dict:
    key = jax.random.key(seed)
    k1, k2 = jax.random.split(key)
    phoneme_ids = jax.random.randint(k1, (BATCH, SEQ), 0, VOCAB, dtype=jnp.int64 if jax.config.jax_enable_x64 else jnp.int32)
    # learned parameter: phoneme embedding table (nn.Embedding(vocab, output_dim))
    table = jax.random.normal(k2, (VOCAB, OUTPUT_DIM), dtype=jnp.float32)
    return {"phoneme_ids": phoneme_ids, "table": table}


def reference(phoneme_ids, table):
    # EspeakPhonemeConditioner.apply_cond: phoneme_embedder(phoneme_ids)
    # (the text->phoneme->id pipeline is preprocessing; the module's tensor
    #  computation is an embedding lookup)
    phoneme_embeds = jnp.take(table, phoneme_ids, axis=0)
    # projection == 'none' -> nn.Identity
    return phoneme_embeds

if __name__ == "__main__":
    import jax
    _d = setup_inputs()
    print(jax.jit(kernel)(*tuple(_d.values())))

</pallas_src>

<mosaic_0001>
#map = affine_map<(d0, d1) -> (0)>
#map1 = affine_map<(d0, d1) -> (0, 0)>
module attributes {stable_mosaic.version = 14 : i64} {
  func.func @k(%arg0: i32, %arg1: i32, %arg2: memref<204800xi32, #tpu.memory_space<hbm>>, %arg3: memref<189x128xf32, #tpu.memory_space<hbm>>, %arg4: memref<204800x128xf32, #tpu.memory_space<hbm>>, %arg5: memref<189x128xf32, #tpu.memory_space<vmem_shared>>, %arg6: memref<6400xi32, #tpu.memory_space<vmem>>, %arg7: memref<40x128xf32, #tpu.memory_space<vmem>>, %arg8: memref<40x128xf32, #tpu.memory_space<vmem>>, %arg9: memref<40x128xf32, #tpu.memory_space<vmem>>, %arg10: memref<40x128xf32, #tpu.memory_space<vmem>>, %arg11: memref<40x128xf32, #tpu.memory_space<vmem>>, %arg12: memref<40x128xf32, #tpu.memory_space<vmem>>, %arg13: memref<40x128xf32, #tpu.memory_space<vmem>>, %arg14: memref<40x128xf32, #tpu.memory_space<vmem>>, %arg15: memref<40x128xf32, #tpu.memory_space<vmem>>, %arg16: memref<40x128xf32, #tpu.memory_space<vmem>>, %arg17: memref<!tpu.dma_semaphore, #tpu.memory_space<semaphore_mem>>, %arg18: memref<!tpu.dma_semaphore, #tpu.memory_space<semaphore_mem>>, %arg19: memref<!tpu.dma_semaphore, #tpu.memory_space<semaphore_mem>>, %arg20: memref<!tpu.dma_semaphore, #tpu.memory_space<semaphore_mem>>, %arg21: memref<!tpu.dma_semaphore, #tpu.memory_space<semaphore_mem>>, %arg22: memref<!tpu.dma_semaphore, #tpu.memory_space<semaphore_mem>>, %arg23: memref<!tpu.dma_semaphore, #tpu.memory_space<semaphore_mem>>, %arg24: memref<!tpu.dma_semaphore, #tpu.memory_space<semaphore_mem>>, %arg25: memref<!tpu.dma_semaphore, #tpu.memory_space<semaphore_mem>>, %arg26: memref<!tpu.dma_semaphore, #tpu.memory_space<semaphore_mem>>, %arg27: memref<!tpu.dma_semaphore, #tpu.memory_space<semaphore_mem>>, %arg28: memref<!tpu.dma_semaphore, #tpu.memory_space<semaphore_mem>>, %arg29: memref<!tpu.dma_semaphore, #tpu.memory_space<semaphore_mem>>, %arg30: memref<!tpu.dma_semaphore, #tpu.memory_space<semaphore_mem>>, %arg31: memref<!tpu.dma_semaphore, #tpu.memory_space<semaphore_mem>>, %arg32: memref<!tpu.dma_semaphore, #tpu.memory_space<semaphore_mem>>, %arg33: memref<!tpu.dma_semaphore, #tpu.memory_space<semaphore_mem>>, %arg34: memref<!tpu.dma_semaphore, #tpu.memory_space<semaphore_mem>>, %arg35: memref<!tpu.dma_semaphore, #tpu.memory_space<semaphore_mem>>, %arg36: memref<!tpu.dma_semaphore, #tpu.memory_space<semaphore_mem>>) attributes {dimension_semantics = [#tpu.dimension_semantics<core_parallel>, #tpu.dimension_semantics<subcore_parallel>], iteration_bounds = array<i64: 2, 16>, scalar_prefetch = 0 : i64, scratch_operands = 32 : i64, tpu.core_type = #tpu.core_type<sc_vector_subcore>, window_params = [{transform_indices = #map}, {transform_indices = #map1}, {transform_indices = #map1}]} {
    %mul3A = arith.constant 2 : i32
    %mul3A_0 = arith.muli %arg1, %mul3A : i32
    %add3A = arith.addi %mul3A_0, %arg0 : i32
    %mul3A_1 = arith.constant 6400 : i32
    %mul3A_2 = arith.muli %add3A, %mul3A_1 : i32
    %eq3A = arith.constant 0 : i32
    %eq3A_3 = arith.cmpi eq, %arg1, %eq3A : i32
    %convert_element_type3A = arith.extui %eq3A_3 : i1 to i32
    %cond3A = arith.constant 0 : i32
    %cond3A_4 = arith.cmpi ne, %convert_element_type3A, %cond3A : i32
    scf.if %cond3A_4 {
      "tpu.region"() ({
        %run_scoped3A = tpu.sem_alloc : memref<!tpu.dma_semaphore, #tpu.memory_space<semaphore_mem>>
        tpu.enqueue_dma source(%arg3 : memref<189x128xf32, #tpu.memory_space<hbm>>) target(%arg5 : memref<189x128xf32, #tpu.memory_space<vmem_shared>>) target_semaphore(%run_scoped3A : memref<!tpu.dma_semaphore, #tpu.memory_space<semaphore_mem>>)
        tpu.wait_dma2 semaphore(%run_scoped3A : memref<!tpu.dma_semaphore, #tpu.memory_space<semaphore_mem>>) src(%arg3 : memref<189x128xf32, #tpu.memory_space<hbm>>) dst(%arg5 : memref<189x128xf32, #tpu.memory_space<vmem_shared>>)
        tpu.yield
      }) : () -> ()
    } else {
    }
    "tpu.region"() ({
      %run_scoped3A = tpu.sem_alloc : memref<!tpu.dma_semaphore, #tpu.memory_space<semaphore_mem>>
      %dma_start3A_118 = tpu.memref_slice %arg2[%mul3A_2] : memref<204800xi32, #tpu.memory_space<hbm>> -> memref<6400xi32, #tpu.memory_space<hbm>>
      %dma_start3A_119 = tpu.memref_slice %arg2[%mul3A_2] : memref<204800xi32, #tpu.memory_space<hbm>> -> memref<6400xi32, #tpu.memory_space<hbm>>
      tpu.enqueue_dma source(%dma_start3A_119 : memref<6400xi32, #tpu.memory_space<hbm>>) target(%arg6 : memref<6400xi32, #tpu.memory_space<vmem>>) target_semaphore(%run_scoped3A : memref<!tpu.dma_semaphore, #tpu.memory_space<semaphore_mem>>)
      %dma_wait3A_120 = tpu.memref_slice %arg2[%mul3A_2] : memref<204800xi32, #tpu.memory_space<hbm>> -> memref<6400xi32, #tpu.memory_space<hbm>>
      %dma_wait3A_121 = tpu.memref_slice %arg2[%mul3A_2] : memref<204800xi32, #tpu.memory_space<hbm>> -> memref<6400xi32, #tpu.memory_space<hbm>>
      tpu.wait_dma2 semaphore(%run_scoped3A : memref<!tpu.dma_semaphore, #tpu.memory_space<semaphore_mem>>) src(%dma_wait3A_121 : memref<6400xi32, #tpu.memory_space<hbm>>) dst(%arg6 : memref<6400xi32, #tpu.memory_space<vmem>>)
      tpu.yield
    }) : () -> ()
    %barrier3A = arith.constant 0 : index
    tpu.barrier barrier_id(%barrier3A)
    %dma_start3A = arith.constant 0 : i32
    %dma_start3A_5 = tpu.memref_slice %arg6[%dma_start3A] : memref<6400xi32, #tpu.memory_space<vmem>> -> memref<40xi32, #tpu.memory_space<vmem>>
    %dma_start3A_6 = arith.constant 0 : i32
    %dma_start3A_7 = arith.constant 0 : i32
    %dma_start3A_8 = tpu.memref_slice %arg5[%dma_start3A_6, %dma_start3A_7] : memref<189x128xf32, #tpu.memory_space<vmem_shared>> -> memref<189x128xf32, #tpu.memory_space<vmem_shared>>
    tpu.enqueue_indirect_dma source(%dma_start3A_8 : memref<189x128xf32, #tpu.memory_space<vmem_shared>>) target(%arg7 : memref<40x128xf32, #tpu.memory_space<vmem>>) offsets(%dma_start3A_5 : memref<40xi32, #tpu.memory_space<vmem>>) semaphore(%arg17 : memref<!tpu.dma_semaphore, #tpu.memory_space<semaphore_mem>>)
    %dma_start3A_9 = arith.constant 40 : i32
    %dma_start3A_10 = tpu.memref_slice %arg6[%dma_start3A_9] : memref<6400xi32, #tpu.memory_space<vmem>> -> memref<40xi32, #tpu.memory_space<vmem>>
    %dma_start3A_11 = arith.constant 0 : i32
    %dma_start3A_12 = arith.constant 0 : i32
    %dma_start3A_13 = tpu.memref_slice %arg5[%dma_start3A_11, %dma_start3A_12] : memref<189x128xf32, #tpu.memory_space<vmem_shared>> -> memref<189x128xf32, #tpu.memory_space<vmem_shared>>
    tpu.enqueue_indirect_dma source(%dma_start3A_13 : memref<189x128xf32, #tpu.memory_space<vmem_shared>>) target(%arg8 : memref<40x128xf32, #tpu.memory_space<vmem>>) offsets(%dma_start3A_10 : memref<40xi32, #tpu.memory_space<vmem>>) semaphore(%arg18 : memref<!tpu.dma_semaphore, #tpu.memory_space<semaphore_mem>>)
    %dma_start3A_14 = arith.constant 80 : i32
    %dma_start3A_15 = tpu.memref_slice %arg6[%dma_start3A_14] : memref<6400xi32, #tpu.memory_space<vmem>> -> memref<40xi32, #tpu.memory_space<vmem>>
    %dma_start3A_16 = arith.constant 0 : i32
    %dma_start3A_17 = arith.constant 0 : i32
    %dma_start3A_18 = tpu.memref_slice %arg5[%dma_start3A_16, %dma_start3A_17] : memref<189x128xf32, #tpu.memory_space<vmem_shared>> -> memref<189x128xf32, #tpu.memory_space<vmem_shared>>
    tpu.enqueue_indirect_dma source(%dma_start3A_18 : memref<189x128xf32, #tpu.memory_space<vmem_shared>>) target(%arg9 : memref<40x128xf32, #tpu.memory_space<vmem>>) offsets(%dma_start3A_15 : memref<40xi32, #tpu.memory_space<vmem>>) semaphore(%arg19 : memref<!tpu.dma_semaphore, #tpu.memory_space<semaphore_mem>>)
    %dma_start3A_19 = arith.constant 120 : i32
    %dma_start3A_20 = tpu.memref_slice %arg6[%dma_start3A_19] : memref<6400xi32, #tpu.memory_space<vmem>> -> memref<40xi32, #tpu.memory_space<vmem>>
    %dma_start3A_21 = arith.constant 0 : i32
    %dma_start3A_22 = arith.constant 0 : i32
    %dma_start3A_23 = tpu.memref_slice %arg5[%dma_start3A_21, %dma_start3A_22] : memref<189x128xf32, #tpu.memory_space<vmem_shared>> -> memref<189x128xf32, #tpu.memory_space<vmem_shared>>
    tpu.enqueue_indirect_dma source(%dma_start3A_23 : memref<189x128xf32, #tpu.memory_space<vmem_shared>>) target(%arg10 : memref<40x128xf32, #tpu.memory_space<vmem>>) offsets(%dma_start3A_20 : memref<40xi32, #tpu.memory_space<vmem>>) semaphore(%arg20 : memref<!tpu.dma_semaphore, #tpu.memory_space<semaphore_mem>>)
    %dma_start3A_24 = arith.constant 160 : i32
    %dma_start3A_25 = tpu.memref_slice %arg6[%dma_start3A_24] : memref<6400xi32, #tpu.memory_space<vmem>> -> memref<40xi32, #tpu.memory_space<vmem>>
    %dma_start3A_26 = arith.constant 0 : i32
    %dma_start3A_27 = arith.constant 0 : i32
    %dma_start3A_28 = tpu.memref_slice %arg5[%dma_start3A_26, %dma_start3A_27] : memref<189x128xf32, #tpu.memory_space<vmem_shared>> -> memref<189x128xf32, #tpu.memory_space<vmem_shared>>
    tpu.enqueue_indirect_dma source(%dma_start3A_28 : memref<189x128xf32, #tpu.memory_space<vmem_shared>>) target(%arg11 : memref<40x128xf32, #tpu.memory_space<vmem>>) offsets(%dma_start3A_25 : memref<40xi32, #tpu.memory_space<vmem>>) semaphore(%arg21 : memref<!tpu.dma_semaphore, #tpu.memory_space<semaphore_mem>>)
    %dma_start3A_29 = arith.constant 200 : i32
    %dma_start3A_30 = tpu.memref_slice %arg6[%dma_start3A_29] : memref<6400xi32, #tpu.memory_space<vmem>> -> memref<40xi32, #tpu.memory_space<vmem>>
    %dma_start3A_31 = arith.constant 0 : i32
    %dma_start3A_32 = arith.constant 0 : i32
    %dma_start3A_33 = tpu.memref_slice %arg5[%dma_start3A_31, %dma_start3A_32] : memref<189x128xf32, #tpu.memory_space<vmem_shared>> -> memref<189x128xf32, #tpu.memory_space<vmem_shared>>
    tpu.enqueue_indirect_dma source(%dma_start3A_33 : memref<189x128xf32, #tpu.memory_space<vmem_shared>>) target(%arg12 : memref<40x128xf32, #tpu.memory_space<vmem>>) offsets(%dma_start3A_30 : memref<40xi32, #tpu.memory_space<vmem>>) semaphore(%arg22 : memref<!tpu.dma_semaphore, #tpu.memory_space<semaphore_mem>>)
    %dma_start3A_34 = arith.constant 240 : i32
    %dma_start3A_35 = tpu.memref_slice %arg6[%dma_start3A_34] : memref<6400xi32, #tpu.memory_space<vmem>> -> memref<40xi32, #tpu.memory_space<vmem>>
    %dma_start3A_36 = arith.constant 0 : i32
    %dma_start3A_37 = arith.constant 0 : i32
    %dma_start3A_38 = tpu.memref_slice %arg5[%dma_start3A_36, %dma_start3A_37] : memref<189x128xf32, #tpu.memory_space<vmem_shared>> -> memref<189x128xf32, #tpu.memory_space<vmem_shared>>
    tpu.enqueue_indirect_dma source(%dma_start3A_38 : memref<189x128xf32, #tpu.memory_space<vmem_shared>>) target(%arg13 : memref<40x128xf32, #tpu.memory_space<vmem>>) offsets(%dma_start3A_35 : memref<40xi32, #tpu.memory_space<vmem>>) semaphore(%arg23 : memref<!tpu.dma_semaphore, #tpu.memory_space<semaphore_mem>>)
    %dma_start3A_39 = arith.constant 280 : i32
    %dma_start3A_40 = tpu.memref_slice %arg6[%dma_start3A_39] : memref<6400xi32, #tpu.memory_space<vmem>> -> memref<40xi32, #tpu.memory_space<vmem>>
    %dma_start3A_41 = arith.constant 0 : i32
    %dma_start3A_42 = arith.constant 0 : i32
    %dma_start3A_43 = tpu.memref_slice %arg5[%dma_start3A_41, %dma_start3A_42] : memref<189x128xf32, #tpu.memory_space<vmem_shared>> -> memref<189x128xf32, #tpu.memory_space<vmem_shared>>
    tpu.enqueue_indirect_dma source(%dma_start3A_43 : memref<189x128xf32, #tpu.memory_space<vmem_shared>>) target(%arg14 : memref<40x128xf32, #tpu.memory_space<vmem>>) offsets(%dma_start3A_40 : memref<40xi32, #tpu.memory_space<vmem>>) semaphore(%arg24 : memref<!tpu.dma_semaphore, #tpu.memory_space<semaphore_mem>>)
    %dma_start3A_44 = arith.constant 320 : i32
    %dma_start3A_45 = tpu.memref_slice %arg6[%dma_start3A_44] : memref<6400xi32, #tpu.memory_space<vmem>> -> memref<40xi32, #tpu.memory_space<vmem>>
    %dma_start3A_46 = arith.constant 0 : i32
    %dma_start3A_47 = arith.constant 0 : i32
    %dma_start3A_48 = tpu.memref_slice %arg5[%dma_start3A_46, %dma_start3A_47] : memref<189x128xf32, #tpu.memory_space<vmem_shared>> -> memref<189x128xf32, #tpu.memory_space<vmem_shared>>
    tpu.enqueue_indirect_dma source(%dma_start3A_48 : memref<189x128xf32, #tpu.memory_space<vmem_shared>>) target(%arg15 : memref<40x128xf32, #tpu.memory_space<vmem>>) offsets(%dma_start3A_45 : memref<40xi32, #tpu.memory_space<vmem>>) semaphore(%arg25 : memref<!tpu.dma_semaphore, #tpu.memory_space<semaphore_mem>>)
    %dma_start3A_49 = arith.constant 360 : i32
    %dma_start3A_50 = tpu.memref_slice %arg6[%dma_start3A_49] : memref<6400xi32, #tpu.memory_space<vmem>> -> memref<40xi32, #tpu.memory_space<vmem>>
    %dma_start3A_51 = arith.constant 0 : i32
    %dma_start3A_52 = arith.constant 0 : i32
    %dma_start3A_53 = tpu.memref_slice %arg5[%dma_start3A_51, %dma_start3A_52] : memref<189x128xf32, #tpu.memory_space<vmem_shared>> -> memref<189x128xf32, #tpu.memory_space<vmem_shared>>
    tpu.enqueue_indirect_dma source(%dma_start3A_53 : memref<189x128xf32, #tpu.memory_space<vmem_shared>>) target(%arg16 : memref<40x128xf32, #tpu.memory_space<vmem>>) offsets(%dma_start3A_50 : memref<40xi32, #tpu.memory_space<vmem>>) semaphore(%arg26 : memref<!tpu.dma_semaphore, #tpu.memory_space<semaphore_mem>>)
    %scan3A = arith.constant 0 : i32
    %scan3A_54 = arith.constant 0 : i32
    %scan3A_55 = arith.constant 16 : i32
    %scan3A_56 = arith.addi %scan3A_54, %scan3A_55 : i32
    %scan3A_57 = arith.constant 1 : i32
    scf.for %scan3A_118 = %scan3A_54 to %scan3A_56 step %scan3A_57  : i32 {
      %mul3A_119 = arith.constant 400 : i32
      %mul3A_120 = arith.muli %scan3A_118, %mul3A_119 : i32
      %add3A_121 = arith.constant 0 : i32
      %add3A_122 = arith.addi %mul3A_120, %add3A_121 : i32
      %dma_wait3A_123 = tpu.memref_slice %arg6[%add3A_122] : memref<6400xi32, #tpu.memory_space<vmem>> -> memref<40xi32, #tpu.memory_space<vmem>>
      %dma_wait3A_124 = arith.constant 0 : i32
      %dma_wait3A_125 = arith.constant 0 : i32
      %dma_wait3A_126 = tpu.memref_slice %arg5[%dma_wait3A_124, %dma_wait3A_125] : memref<189x128xf32, #tpu.memory_space<vmem_shared>> -> memref<189x128xf32, #tpu.memory_space<vmem_shared>>
      tpu.wait_indirect_dma semaphore(%arg17 : memref<!tpu.dma_semaphore, #tpu.memory_space<semaphore_mem>>) src(%dma_wait3A_126 : memref<189x128xf32, #tpu.memory_space<vmem_shared>>) dst(%arg7 : memref<40x128xf32, #tpu.memory_space<vmem>>)
      %add3A_127 = arith.addi %mul3A_2, %add3A_122 : i32
      %dma_start3A_128 = arith.constant 0 : i32
      %dma_start3A_129 = tpu.memref_slice %arg4[%add3A_127, %dma_start3A_128] : memref<204800x128xf32, #tpu.memory_space<hbm>> -> memref<40x128xf32, #tpu.memory_space<hbm>>
      %dma_start3A_130 = arith.constant 0 : i32
      %dma_start3A_131 = tpu.memref_slice %arg4[%add3A_127, %dma_start3A_130] : memref<204800x128xf32, #tpu.memory_space<hbm>> -> memref<40x128xf32, #tpu.memory_space<hbm>>
      tpu.enqueue_dma source(%arg7 : memref<40x128xf32, #tpu.memory_space<vmem>>) target(%dma_start3A_131 : memref<40x128xf32, #tpu.memory_space<hbm>>) target_semaphore(%arg27 : memref<!tpu.dma_semaphore, #tpu.memory_space<semaphore_mem>>)
      %add3A_132 = arith.constant 40 : i32
      %add3A_133 = arith.addi %mul3A_120, %add3A_132 : i32
      %dma_wait3A_134 = tpu.memref_slice %arg6[%add3A_133] : memref<6400xi32, #tpu.memory_space<vmem>> -> memref<40xi32, #tpu.memory_space<vmem>>
      %dma_wait3A_135 = arith.constant 0 : i32
      %dma_wait3A_136 = arith.constant 0 : i32
      %dma_wait3A_137 = tpu.memref_slice %arg5[%dma_wait3A_135, %dma_wait3A_136] : memref<189x128xf32, #tpu.memory_space<vmem_shared>> -> memref<189x128xf32, #tpu.memory_space<vmem_shared>>
      tpu.wait_indirect_dma semaphore(%arg18 : memref<!tpu.dma_semaphore, #tpu.memory_space<semaphore_mem>>) src(%dma_wait3A_137 : memref<189x128xf32, #tpu.memory_space<vmem_shared>>) dst(%arg8 : memref<40x128xf32, #tpu.memory_space<vmem>>)
      %add3A_138 = arith.addi %mul3A_2, %add3A_133 : i32
      %dma_start3A_139 = arith.constant 0 : i32
      %dma_start3A_140 = tpu.memref_slice %arg4[%add3A_138, %dma_start3A_139] : memref<204800x128xf32, #tpu.memory_space<hbm>> -> memref<40x128xf32, #tpu.memory_space<hbm>>
      %dma_start3A_141 = arith.constant 0 : i32
      %dma_start3A_142 = tpu.memref_slice %arg4[%add3A_138, %dma_start3A_141] : memref<204800x128xf32, #tpu.memory_space<hbm>> -> memref<40x128xf32, #tpu.memory_space<hbm>>
      tpu.enqueue_dma source(%arg8 : memref<40x128xf32, #tpu.memory_space<vmem>>) target(%dma_start3A_142 : memref<40x128xf32, #tpu.memory_space<hbm>>) target_semaphore(%arg28 : memref<!tpu.dma_semaphore, #tpu.memory_space<semaphore_mem>>)
      %add3A_143 = arith.constant 80 : i32
      %add3A_144 = arith.addi %mul3A_120, %add3A_143 : i32
      %dma_wait3A_145 = tpu.memref_slice %arg6[%add3A_144] : memref<6400xi32, #tpu.memory_space<vmem>> -> memref<40xi32, #tpu.memory_space<vmem>>
      %dma_wait3A_146 = arith.constant 0 : i32
      %dma_wait3A_147 = arith.constant 0 : i32
      %dma_wait3A_148 = tpu.memref_slice %arg5[%dma_wait3A_146, %dma_wait3A_147] : memref<189x128xf32, #tpu.memory_space<vmem_shared>> -> memref<189x128xf32, #tpu.memory_space<vmem_shared>>
      tpu.wait_indirect_dma semaphore(%arg19 : memref<!tpu.dma_semaphore, #tpu.memory_space<semaphore_mem>>) src(%dma_wait3A_148 : memref<189x128xf32, #tpu.memory_space<vmem_shared>>) dst(%arg9 : memref<40x128xf32, #tpu.memory_space<vmem>>)
      %add3A_149 = arith.addi %mul3A_2, %add3A_144 : i32
      %dma_start3A_150 = arith.constant 0 : i32
      %dma_start3A_151 = tpu.memref_slice %arg4[%add3A_149, %dma_start3A_150] : memref<204800x128xf32, #tpu.memory_space<hbm>> -> memref<40x128xf32, #tpu.memory_space<hbm>>
      %dma_start3A_152 = arith.constant 0 : i32
      %dma_start3A_153 = tpu.memref_slice %arg4[%add3A_149, %dma_start3A_152] : memref<204800x128xf32, #tpu.memory_space<hbm>> -> memref<40x128xf32, #tpu.memory_space<hbm>>
      tpu.enqueue_dma source(%arg9 : memref<40x128xf32, #tpu.memory_space<vmem>>) target(%dma_start3A_153 : memref<40x128xf32, #tpu.memory_space<hbm>>) target_semaphore(%arg29 : memref<!tpu.dma_semaphore, #tpu.memory_space<semaphore_mem>>)
      %add3A_154 = arith.constant 120 : i32
      %add3A_155 = arith.addi %mul3A_120, %add3A_154 : i32
      %dma_wait3A_156 = tpu.memref_slice %arg6[%add3A_155] : memref<6400xi32, #tpu.memory_space<vmem>> -> memref<40xi32, #tpu.memory_space<vmem>>
      %dma_wait3A_157 = arith.constant 0 : i32
      %dma_wait3A_158 = arith.constant 0 : i32
      %dma_wait3A_159 = tpu.memref_slice %arg5[%dma_wait3A_157, %dma_wait3A_158] : memref<189x128xf32, #tpu.memory_space<vmem_shared>> -> memref<189x128xf32, #tpu.memory_space<vmem_shared>>
      tpu.wait_indirect_dma semaphore(%arg20 : memref<!tpu.dma_semaphore, #tpu.memory_space<semaphore_mem>>) src(%dma_wait3A_159 : memref<189x128xf32, #tpu.memory_space<vmem_shared>>) dst(%arg10 : memref<40x128xf32, #tpu.memory_space<vmem>>)
      %add3A_160 = arith.addi %mul3A_2, %add3A_155 : i32
      %dma_start3A_161 = arith.constant 0 : i32
      %dma_start3A_162 = tpu.memref_slice %arg4[%add3A_160, %dma_start3A_161] : memref<204800x128xf32, #tpu.memory_space<hbm>> -> memref<40x128xf32, #tpu.memory_space<hbm>>
      %dma_start3A_163 = arith.constant 0 : i32
      %dma_start3A_164 = tpu.memref_slice %arg4[%add3A_160, %dma_start3A_163] : memref<204800x128xf32, #tpu.memory_space<hbm>> -> memref<40x128xf32, #tpu.memory_space<hbm>>
      tpu.enqueue_dma source(%arg10 : memref<40x128xf32, #tpu.memory_space<vmem>>) target(%dma_start3A_164 : memref<40x128xf32, #tpu.memory_space<hbm>>) target_semaphore(%arg30 : memref<!tpu.dma_semaphore, #tpu.memory_space<semaphore_mem>>)
      %add3A_165 = arith.constant 160 : i32
      %add3A_166 = arith.addi %mul3A_120, %add3A_165 : i32
      %dma_wait3A_167 = tpu.memref_slice %arg6[%add3A_166] : memref<6400xi32, #tpu.memory_space<vmem>> -> memref<40xi32, #tpu.memory_space<vmem>>
      %dma_wait3A_168 = arith.constant 0 : i32
      %dma_wait3A_169 = arith.constant 0 : i32
      %dma_wait3A_170 = tpu.memref_slice %arg5[%dma_wait3A_168, %dma_wait3A_169] : memref<189x128xf32, #tpu.memory_space<vmem_shared>> -> memref<189x128xf32, #tpu.memory_space<vmem_shared>>
      tpu.wait_indirect_dma semaphore(%arg21 : memref<!tpu.dma_semaphore, #tpu.memory_space<semaphore_mem>>) src(%dma_wait3A_170 : memref<189x128xf32, #tpu.memory_space<vmem_shared>>) dst(%arg11 : memref<40x128xf32, #tpu.memory_space<vmem>>)
      %add3A_171 = arith.addi %mul3A_2, %add3A_166 : i32
      %dma_start3A_172 = arith.constant 0 : i32
      %dma_start3A_173 = tpu.memref_slice %arg4[%add3A_171, %dma_start3A_172] : memref<204800x128xf32, #tpu.memory_space<hbm>> -> memref<40x128xf32, #tpu.memory_space<hbm>>
      %dma_start3A_174 = arith.constant 0 : i32
      %dma_start3A_175 = tpu.memref_slice %arg4[%add3A_171, %dma_start3A_174] : memref<204800x128xf32, #tpu.memory_space<hbm>> -> memref<40x128xf32, #tpu.memory_space<hbm>>
      tpu.enqueue_dma source(%arg11 : memref<40x128xf32, #tpu.memory_space<vmem>>) target(%dma_start3A_175 : memref<40x128xf32, #tpu.memory_space<hbm>>) target_semaphore(%arg31 : memref<!tpu.dma_semaphore, #tpu.memory_space<semaphore_mem>>)
      %add3A_176 = arith.constant 200 : i32
      %add3A_177 = arith.addi %mul3A_120, %add3A_176 : i32
      %dma_wait3A_178 = tpu.memref_slice %arg6[%add3A_177] : memref<6400xi32, #tpu.memory_space<vmem>> -> memref<40xi32, #tpu.memory_space<vmem>>
      %dma_wait3A_179 = arith.constant 0 : i32
      %dma_wait3A_180 = arith.constant 0 : i32
      %dma_wait3A_181 = tpu.memref_slice %arg5[%dma_wait3A_179, %dma_wait3A_180] : memref<189x128xf32, #tpu.memory_space<vmem_shared>> -> memref<189x128xf32, #tpu.memory_space<vmem_shared>>
      tpu.wait_indirect_dma semaphore(%arg22 : memref<!tpu.dma_semaphore, #tpu.memory_space<semaphore_mem>>) src(%dma_wait3A_181 : memref<189x128xf32, #tpu.memory_space<vmem_shared>>) dst(%arg12 : memref<40x128xf32, #tpu.memory_space<vmem>>)
      %add3A_182 = arith.addi %mul3A_2, %add3A_177 : i32
      %dma_start3A_183 = arith.constant 0 : i32
      %dma_start3A_184 = tpu.memref_slice %arg4[%add3A_182, %dma_start3A_183] : memref<204800x128xf32, #tpu.memory_space<hbm>> -> memref<40x128xf32, #tpu.memory_space<hbm>>
      %dma_start3A_185 = arith.constant 0 : i32
      %dma_start3A_186 = tpu.memref_slice %arg4[%add3A_182, %dma_start3A_185] : memref<204800x128xf32, #tpu.memory_space<hbm>> -> memref<40x128xf32, #tpu.memory_space<hbm>>
      tpu.enqueue_dma source(%arg12 : memref<40x128xf32, #tpu.memory_space<vmem>>) target(%dma_start3A_186 : memref<40x128xf32, #tpu.memory_space<hbm>>) target_semaphore(%arg32 : memref<!tpu.dma_semaphore, #tpu.memory_space<semaphore_mem>>)
      %add3A_187 = arith.constant 240 : i32
      %add3A_188 = arith.addi %mul3A_120, %add3A_187 : i32
      %dma_wait3A_189 = tpu.memref_slice %arg6[%add3A_188] : memref<6400xi32, #tpu.memory_space<vmem>> -> memref<40xi32, #tpu.memory_space<vmem>>
      %dma_wait3A_190 = arith.constant 0 : i32
      %dma_wait3A_191 = arith.constant 0 : i32
      %dma_wait3A_192 = tpu.memref_slice %arg5[%dma_wait3A_190, %dma_wait3A_191] : memref<189x128xf32, #tpu.memory_space<vmem_shared>> -> memref<189x128xf32, #tpu.memory_space<vmem_shared>>
      tpu.wait_indirect_dma semaphore(%arg23 : memref<!tpu.dma_semaphore, #tpu.memory_space<semaphore_mem>>) src(%dma_wait3A_192 : memref<189x128xf32, #tpu.memory_space<vmem_shared>>) dst(%arg13 : memref<40x128xf32, #tpu.memory_space<vmem>>)
      %add3A_193 = arith.addi %mul3A_2, %add3A_188 : i32
      %dma_start3A_194 = arith.constant 0 : i32
      %dma_start3A_195 = tpu.memref_slice %arg4[%add3A_193, %dma_start3A_194] : memref<204800x128xf32, #tpu.memory_space<hbm>> -> memref<40x128xf32, #tpu.memory_space<hbm>>
      %dma_start3A_196 = arith.constant 0 : i32
      %dma_start3A_197 = tpu.memref_slice %arg4[%add3A_193, %dma_start3A_196] : memref<204800x128xf32, #tpu.memory_space<hbm>> -> memref<40x128xf32, #tpu.memory_space<hbm>>
      tpu.enqueue_dma source(%arg13 : memref<40x128xf32, #tpu.memory_space<vmem>>) target(%dma_start3A_197 : memref<40x128xf32, #tpu.memory_space<hbm>>) target_semaphore(%arg33 : memref<!tpu.dma_semaphore, #tpu.memory_space<semaphore_mem>>)
      %add3A_198 = arith.constant 280 : i32
      %add3A_199 = arith.addi %mul3A_120, %add3A_198 : i32
      %dma_wait3A_200 = tpu.memref_slice %arg6[%add3A_199] : memref<6400xi32, #tpu.memory_space<vmem>> -> memref<40xi32, #tpu.memory_space<vmem>>
      %dma_wait3A_201 = arith.constant 0 : i32
      %dma_wait3A_202 = arith.constant 0 : i32
      %dma_wait3A_203 = tpu.memref_slice %arg5[%dma_wait3A_201, %dma_wait3A_202] : memref<189x128xf32, #tpu.memory_space<vmem_shared>> -> memref<189x128xf32, #tpu.memory_space<vmem_shared>>
      tpu.wait_indirect_dma semaphore(%arg24 : memref<!tpu.dma_semaphore, #tpu.memory_space<semaphore_mem>>) src(%dma_wait3A_203 : memref<189x128xf32, #tpu.memory_space<vmem_shared>>) dst(%arg14 : memref<40x128xf32, #tpu.memory_space<vmem>>)
      %add3A_204 = arith.addi %mul3A_2, %add3A_199 : i32
      %dma_start3A_205 = arith.constant 0 : i32
      %dma_start3A_206 = tpu.memref_slice %arg4[%add3A_204, %dma_start3A_205] : memref<204800x128xf32, #tpu.memory_space<hbm>> -> memref<40x128xf32, #tpu.memory_space<hbm>>
      %dma_start3A_207 = arith.constant 0 : i32
      %dma_start3A_208 = tpu.memref_slice %arg4[%add3A_204, %dma_start3A_207] : memref<204800x128xf32, #tpu.memory_space<hbm>> -> memref<40x128xf32, #tpu.memory_space<hbm>>
      tpu.enqueue_dma source(%arg14 : memref<40x128xf32, #tpu.memory_space<vmem>>) target(%dma_start3A_208 : memref<40x128xf32, #tpu.memory_space<hbm>>) target_semaphore(%arg34 : memref<!tpu.dma_semaphore, #tpu.memory_space<semaphore_mem>>)
      %add3A_209 = arith.constant 320 : i32
      %add3A_210 = arith.addi %mul3A_120, %add3A_209 : i32
      %dma_wait3A_211 = tpu.memref_slice %arg6[%add3A_210] : memref<6400xi32, #tpu.memory_space<vmem>> -> memref<40xi32, #tpu.memory_space<vmem>>
      %dma_wait3A_212 = arith.constant 0 : i32
      %dma_wait3A_213 = arith.constant 0 : i32
      %dma_wait3A_214 = tpu.memref_slice %arg5[%dma_wait3A_212, %dma_wait3A_213] : memref<189x128xf32, #tpu.memory_space<vmem_shared>> -> memref<189x128xf32, #tpu.memory_space<vmem_shared>>
      tpu.wait_indirect_dma semaphore(%arg25 : memref<!tpu.dma_semaphore, #tpu.memory_space<semaphore_mem>>) src(%dma_wait3A_214 : memref<189x128xf32, #tpu.memory_space<vmem_shared>>) dst(%arg15 : memref<40x128xf32, #tpu.memory_space<vmem>>)
      %add3A_215 = arith.addi %mul3A_2, %add3A_210 : i32
      %dma_start3A_216 = arith.constant 0 : i32
      %dma_start3A_217 = tpu.memref_slice %arg4[%add3A_215, %dma_start3A_216] : memref<204800x128xf32, #tpu.memory_space<hbm>> -> memref<40x128xf32, #tpu.memory_space<hbm>>
      %dma_start3A_218 = arith.constant 0 : i32
      %dma_start3A_219 = tpu.memref_slice %arg4[%add3A_215, %dma_start3A_218] : memref<204800x128xf32, #tpu.memory_space<hbm>> -> memref<40x128xf32, #tpu.memory_space<hbm>>
      tpu.enqueue_dma source(%arg15 : memref<40x128xf32, #tpu.memory_space<vmem>>) target(%dma_start3A_219 : memref<40x128xf32, #tpu.memory_space<hbm>>) target_semaphore(%arg35 : memref<!tpu.dma_semaphore, #tpu.memory_space<semaphore_mem>>)
      %add3A_220 = arith.constant 360 : i32
      %add3A_221 = arith.addi %mul3A_120, %add3A_220 : i32
      %dma_wait3A_222 = tpu.memref_slice %arg6[%add3A_221] : memref<6400xi32, #tpu.memory_space<vmem>> -> memref<40xi32, #tpu.memory_space<vmem>>
      %dma_wait3A_223 = arith.constant 0 : i32
      %dma_wait3A_224 = arith.constant 0 : i32
      %dma_wait3A_225 = tpu.memref_slice %arg5[%dma_wait3A_223, %dma_wait3A_224] : memref<189x128xf32, #tpu.memory_space<vmem_shared>> -> memref<189x128xf32, #tpu.memory_space<vmem_shared>>
      tpu.wait_indirect_dma semaphore(%arg26 : memref<!tpu.dma_semaphore, #tpu.memory_space<semaphore_mem>>) src(%dma_wait3A_225 : memref<189x128xf32, #tpu.memory_space<vmem_shared>>) dst(%arg16 : memref<40x128xf32, #tpu.memory_space<vmem>>)
      %add3A_226 = arith.addi %mul3A_2, %add3A_221 : i32
      %dma_start3A_227 = arith.constant 0 : i32
      %dma_start3A_228 = tpu.memref_slice %arg4[%add3A_226, %dma_start3A_227] : memref<204800x128xf32, #tpu.memory_space<hbm>> -> memref<40x128xf32, #tpu.memory_space<hbm>>
      %dma_start3A_229 = arith.constant 0 : i32
      %dma_start3A_230 = tpu.memref_slice %arg4[%add3A_226, %dma_start3A_229] : memref<204800x128xf32, #tpu.memory_space<hbm>> -> memref<40x128xf32, #tpu.memory_space<hbm>>
      tpu.enqueue_dma source(%arg16 : memref<40x128xf32, #tpu.memory_space<vmem>>) target(%dma_start3A_230 : memref<40x128xf32, #tpu.memory_space<hbm>>) target_semaphore(%arg36 : memref<!tpu.dma_semaphore, #tpu.memory_space<semaphore_mem>>)
      %lt3A = arith.constant 15 : i32
      %lt3A_231 = arith.cmpi slt, %scan3A_118, %lt3A : i32
      %convert_element_type3A_232 = arith.extui %lt3A_231 : i1 to i32
      %cond3A_233 = arith.constant 0 : i32
      %cond3A_234 = arith.cmpi ne, %convert_element_type3A_232, %cond3A_233 : i32
      scf.if %cond3A_234 {
        %add3A_235 = arith.constant 0 : i32
        %add3A_236 = arith.addi %mul3A_120, %add3A_235 : i32
        %add3A_237 = arith.constant 400 : i32
        %add3A_238 = arith.addi %add3A_236, %add3A_237 : i32
        %add3A_239 = arith.addi %mul3A_2, %add3A_236 : i32
        %dma_wait3A_240 = arith.constant 0 : i32
        %dma_wait3A_241 = tpu.memref_slice %arg4[%add3A_239, %dma_wait3A_240] : memref<204800x128xf32, #tpu.memory_space<hbm>> -> memref<40x128xf32, #tpu.memory_space<hbm>>
        %dma_wait3A_242 = arith.constant 0 : i32
        %dma_wait3A_243 = tpu.memref_slice %arg4[%add3A_239, %dma_wait3A_242] : memref<204800x128xf32, #tpu.memory_space<hbm>> -> memref<40x128xf32, #tpu.memory_space<hbm>>
        tpu.wait_dma2 semaphore(%arg27 : memref<!tpu.dma_semaphore, #tpu.memory_space<semaphore_mem>>) src(%arg7 : memref<40x128xf32, #tpu.memory_space<vmem>>) dst(%dma_wait3A_243 : memref<40x128xf32, #tpu.memory_space<hbm>>)
        %dma_start3A_244 = tpu.memref_slice %arg6[%add3A_238] : memref<6400xi32, #tpu.memory_space<vmem>> -> memref<40xi32, #tpu.memory_space<vmem>>
        %dma_start3A_245 = arith.constant 0 : i32
        %dma_start3A_246 = arith.constant 0 : i32
        %dma_start3A_247 = tpu.memref_slice %arg5[%dma_start3A_245, %dma_start3A_246] : memref<189x128xf32, #tpu.memory_space<vmem_shared>> -> memref<189x128xf32, #tpu.memory_space<vmem_shared>>
        tpu.enqueue_indirect_dma source(%dma_start3A_247 : memref<189x128xf32, #tpu.memory_space<vmem_shared>>) target(%arg7 : memref<40x128xf32, #tpu.memory_space<vmem>>) offsets(%dma_start3A_244 : memref<40xi32, #tpu.memory_space<vmem>>) semaphore(%arg17 : memref<!tpu.dma_semaphore, #tpu.memory_space<semaphore_mem>>)
        %add3A_248 = arith.constant 40 : i32
        %add3A_249 = arith.addi %mul3A_120, %add3A_248 : i32
        %add3A_250 = arith.constant 400 : i32
        %add3A_251 = arith.addi %add3A_249, %add3A_250 : i32
        %add3A_252 = arith.addi %mul3A_2, %add3A_249 : i32
        %dma_wait3A_253 = arith.constant 0 : i32
        %dma_wait3A_254 = tpu.memref_slice %arg4[%add3A_252, %dma_wait3A_253] : memref<204800x128xf32, #tpu.memory_space<hbm>> -> memref<40x128xf32, #tpu.memory_space<hbm>>
        %dma_wait3A_255 = arith.constant 0 : i32
        %dma_wait3A_256 = tpu.memref_slice %arg4[%add3A_252, %dma_wait3A_255] : memref<204800x128xf32, #tpu.memory_space<hbm>> -> memref<40x128xf32, #tpu.memory_space<hbm>>
        tpu.wait_dma2 semaphore(%arg28 : memref<!tpu.dma_semaphore, #tpu.memory_space<semaphore_mem>>) src(%arg8 : memref<40x128xf32, #tpu.memory_space<vmem>>) dst(%dma_wait3A_256 : memref<40x128xf32, #tpu.memory_space<hbm>>)
        %dma_start3A_257 = tpu.memref_slice %arg6[%add3A_251] : memref<6400xi32, #tpu.memory_space<vmem>> -> memref<40xi32, #tpu.memory_space<vmem>>
        %dma_start3A_258 = arith.constant 0 : i32
        %dma_start3A_259 = arith.constant 0 : i32
        %dma_start3A_260 = tpu.memref_slice %arg5[%dma_start3A_258, %dma_start3A_259] : memref<189x128xf32, #tpu.memory_space<vmem_shared>> -> memref<189x128xf32, #tpu.memory_space<vmem_shared>>
        tpu.enqueue_indirect_dma source(%dma_start3A_260 : memref<189x128xf32, #tpu.memory_space<vmem_shared>>) target(%arg8 : memref<40x128xf32, #tpu.memory_space<vmem>>) offsets(%dma_start3A_257 : memref<40xi32, #tpu.memory_space<vmem>>) semaphore(%arg18 : memref<!tpu.dma_semaphore, #tpu.memory_space<semaphore_mem>>)
        %add3A_261 = arith.constant 80 : i32
        %add3A_262 = arith.addi %mul3A_120, %add3A_261 : i32
        %add3A_263 = arith.constant 400 : i32
        %add3A_264 = arith.addi %add3A_262, %add3A_263 : i32
        %add3A_265 = arith.addi %mul3A_2, %add3A_262 : i32
        %dma_wait3A_266 = arith.constant 0 : i32
        %dma_wait3A_267 = tpu.memref_slice %arg4[%add3A_265, %dma_wait3A_266] : memref<204800x128xf32, #tpu.memory_space<hbm>> -> memref<40x128xf32, #tpu.memory_space<hbm>>
        %dma_wait3A_268 = arith.constant 0 : i32
        %dma_wait3A_269 = tpu.memref_slice %arg4[%add3A_265, %dma_wait3A_268] : memref<204800x128xf32, #tpu.memory_space<hbm>> -> memref<40x128xf32, #tpu.memory_space<hbm>>
        tpu.wait_dma2 semaphore(%arg29 : memref<!tpu.dma_semaphore, #tpu.memory_space<semaphore_mem>>) src(%arg9 : memref<40x128xf32, #tpu.memory_space<vmem>>) dst(%dma_wait3A_269 : memref<40x128xf32, #tpu.memory_space<hbm>>)
        %dma_start3A_270 = tpu.memref_slice %arg6[%add3A_264] : memref<6400xi32, #tpu.memory_space<vmem>> -> memref<40xi32, #tpu.memory_space<vmem>>
        %dma_start3A_271 = arith.constant 0 : i32
        %dma_start3A_272 = arith.constant 0 : i32
        %dma_start3A_273 = tpu.memref_slice %arg5[%dma_start3A_271, %dma_start3A_272] : memref<189x128xf32, #tpu.memory_space<vmem_shared>> -> memref<189x128xf32, #tpu.memory_space<vmem_shared>>
        tpu.enqueue_indirect_dma source(%dma_start3A_273 : memref<189x128xf32, #tpu.memory_space<vmem_shared>>) target(%arg9 : memref<40x128xf32, #tpu.memory_space<vmem>>) offsets(%dma_start3A_270 : memref<40xi32, #tpu.memory_space<vmem>>) semaphore(%arg19 : memref<!tpu.dma_semaphore, #tpu.memory_space<semaphore_mem>>)
        %add3A_274 = arith.constant 120 : i32
        %add3A_275 = arith.addi %mul3A_120, %add3A_274 : i32
        %add3A_276 = arith.constant 400 : i32
        %add3A_277 = arith.addi %add3A_275, %add3A_276 : i32
        %add3A_278 = arith.addi %mul3A_2, %add3A_275 : i32
        %dma_wait3A_279 = arith.constant 0 : i32
        %dma_wait3A_280 = tpu.memref_slice %arg4[%add3A_278, %dma_wait3A_279] : memref<204800x128xf32, #tpu.memory_space<hbm>> -> memref<40x128xf32, #tpu.memory_space<hbm>>
        %dma_wait3A_281 = arith.constant 0 : i32
        %dma_wait3A_282 = tpu.memref_slice %arg4[%add3A_278, %dma_wait3A_281] : memref<204800x128xf32, #tpu.memory_space<hbm>> -> memref<40x128xf32, #tpu.memory_space<hbm>>
        tpu.wait_dma2 semaphore(%arg30 : memref<!tpu.dma_semaphore, #tpu.memory_space<semaphore_mem>>) src(%arg10 : memref<40x128xf32, #tpu.memory_space<vmem>>) dst(%dma_wait3A_282 : memref<40x128xf32, #tpu.memory_space<hbm>>)
        %dma_start3A_283 = tpu.memref_slice %arg6[%add3A_277] : memref<6400xi32, #tpu.memory_space<vmem>> -> memref<40xi32, #tpu.memory_space<vmem>>
        %dma_start3A_284 = arith.constant 0 : i32
        %dma_start3A_285 = arith.constant 0 : i32
        %dma_start3A_286 = tpu.memref_slice %arg5[%dma_start3A_284, %dma_start3A_285] : memref<189x128xf32, #tpu.memory_space<vmem_shared>> -> memref<189x128xf32, #tpu.memory_space<vmem_shared>>
        tpu.enqueue_indirect_dma source(%dma_start3A_286 : memref<189x128xf32, #tpu.memory_space<vmem_shared>>) target(%arg10 : memref<40x128xf32, #tpu.memory_space<vmem>>) offsets(%dma_start3A_283 : memref<40xi32, #tpu.memory_space<vmem>>) semaphore(%arg20 : memref<!tpu.dma_semaphore, #tpu.memory_space<semaphore_mem>>)
        %add3A_287 = arith.constant 160 : i32
        %add3A_288 = arith.addi %mul3A_120, %add3A_287 : i32
        %add3A_289 = arith.constant 400 : i32
        %add3A_290 = arith.addi %add3A_288, %add3A_289 : i32
        %add3A_291 = arith.addi %mul3A_2, %add3A_288 : i32
        %dma_wait3A_292 = arith.constant 0 : i32
        %dma_wait3A_293 = tpu.memref_slice %arg4[%add3A_291, %dma_wait3A_292] : memref<204800x128xf32, #tpu.memory_space<hbm>> -> memref<40x128xf32, #tpu.memory_space<hbm>>
        %dma_wait3A_294 = arith.constant 0 : i32
        %dma_wait3A_295 = tpu.memref_slice %arg4[%add3A_291, %dma_wait3A_294] : memref<204800x128xf32, #tpu.memory_space<hbm>> -> memref<40x128xf32, #tpu.memory_space<hbm>>
        tpu.wait_dma2 semaphore(%arg31 : memref<!tpu.dma_semaphore, #tpu.memory_space<semaphore_mem>>) src(%arg11 : memref<40x128xf32, #tpu.memory_space<vmem>>) dst(%dma_wait3A_295 : memref<40x128xf32, #tpu.memory_space<hbm>>)
        %dma_start3A_296 = tpu.memref_slice %arg6[%add3A_290] : memref<6400xi32, #tpu.memory_space<vmem>> -> memref<40xi32, #tpu.memory_space<vmem>>
        %dma_start3A_297 = arith.constant 0 : i32
        %dma_start3A_298 = arith.constant 0 : i32
        %dma_start3A_299 = tpu.memref_slice %arg5[%dma_start3A_297, %dma_start3A_298] : memref<189x128xf32, #tpu.memory_space<vmem_shared>> -> memref<189x128xf32, #tpu.memory_space<vmem_shared>>
        tpu.enqueue_indirect_dma source(%dma_start3A_299 : memref<189x128xf32, #tpu.memory_space<vmem_shared>>) target(%arg11 : memref<40x128xf32, #tpu.memory_space<vmem>>) offsets(%dma_start3A_296 : memref<40xi32, #tpu.memory_space<vmem>>) semaphore(%arg21 : memref<!tpu.dma_semaphore, #tpu.memory_space<semaphore_mem>>)
        %add3A_300 = arith.constant 200 : i32
        %add3A_301 = arith.addi %mul3A_120, %add3A_300 : i32
        %add3A_302 = arith.constant 400 : i32
        %add3A_303 = arith.addi %add3A_301, %add3A_302 : i32
        %add3A_304 = arith.addi %mul3A_2, %add3A_301 : i32
        %dma_wait3A_305 = arith.constant 0 : i32
        %dma_wait3A_306 = tpu.memref_slice %arg4[%add3A_304, %dma_wait3A_305] : memref<204800x128xf32, #tpu.memory_space<hbm>> -> memref<40x128xf32, #tpu.memory_space<hbm>>
        %dma_wait3A_307 = arith.constant 0 : i32
        %dma_wait3A_308 = tpu.memref_slice %arg4[%add3A_304, %dma_wait3A_307] : memref<204800x128xf32, #tpu.memory_space<hbm>> -> memref<40x128xf32, #tpu.memory_space<hbm>>
        tpu.wait_dma2 semaphore(%arg32 : memref<!tpu.dma_semaphore, #tpu.memory_space<semaphore_mem>>) src(%arg12 : memref<40x128xf32, #tpu.memory_space<vmem>>) dst(%dma_wait3A_308 : memref<40x128xf32, #tpu.memory_space<hbm>>)
        %dma_start3A_309 = tpu.memref_slice %arg6[%add3A_303] : memref<6400xi32, #tpu.memory_space<vmem>> -> memref<40xi32, #tpu.memory_space<vmem>>
        %dma_start3A_310 = arith.constant 0 : i32
        %dma_start3A_311 = arith.constant 0 : i32
        %dma_start3A_312 = tpu.memref_slice %arg5[%dma_start3A_310, %dma_start3A_311] : memref<189x128xf32, #tpu.memory_space<vmem_shared>> -> memref<189x128xf32, #tpu.memory_space<vmem_shared>>
        tpu.enqueue_indirect_dma source(%dma_start3A_312 : memref<189x128xf32, #tpu.memory_space<vmem_shared>>) target(%arg12 : memref<40x128xf32, #tpu.memory_space<vmem>>) offsets(%dma_start3A_309 : memref<40xi32, #tpu.memory_space<vmem>>) semaphore(%arg22 : memref<!tpu.dma_semaphore, #tpu.memory_space<semaphore_mem>>)
        %add3A_313 = arith.constant 240 : i32
        %add3A_314 = arith.addi %mul3A_120, %add3A_313 : i32
        %add3A_315 = arith.constant 400 : i32
        %add3A_316 = arith.addi %add3A_314, %add3A_315 : i32
        %add3A_317 = arith.addi %mul3A_2, %add3A_314 : i32
        %dma_wait3A_318 = arith.constant 0 : i32
        %dma_wait3A_319 = tpu.memref_slice %arg4[%add3A_317, %dma_wait3A_318] : memref<204800x128xf32, #tpu.memory_space<hbm>> -> memref<40x128xf32, #tpu.memory_space<hbm>>
        %dma_wait3A_320 = arith.constant 0 : i32
        %dma_wait3A_321 = tpu.memref_slice %arg4[%add3A_317, %dma_wait3A_320] : memref<204800x128xf32, #tpu.memory_space<hbm>> -> memref<40x128xf32, #tpu.memory_space<hbm>>
        tpu.wait_dma2 semaphore(%arg33 : memref<!tpu.dma_semaphore, #tpu.memory_space<semaphore_mem>>) src(%arg13 : memref<40x128xf32, #tpu.memory_space<vmem>>) dst(%dma_wait3A_321 : memref<40x128xf32, #tpu.memory_space<hbm>>)
        %dma_start3A_322 = tpu.memref_slice %arg6[%add3A_316] : memref<6400xi32, #tpu.memory_space<vmem>> -> memref<40xi32, #tpu.memory_space<vmem>>
        %dma_start3A_323 = arith.constant 0 : i32
        %dma_start3A_324 = arith.constant 0 : i32
        %dma_start3A_325 = tpu.memref_slice %arg5[%dma_start3A_323, %dma_start3A_324] : memref<189x128xf32, #tpu.memory_space<vmem_shared>> -> memref<189x128xf32, #tpu.memory_space<vmem_shared>>
        tpu.enqueue_indirect_dma source(%dma_start3A_325 : memref<189x128xf32, #tpu.memory_space<vmem_shared>>) target(%arg13 : memref<40x128xf32, #tpu.memory_space<vmem>>) offsets(%dma_start3A_322 : memref<40xi32, #tpu.memory_space<vmem>>) semaphore(%arg23 : memref<!tpu.dma_semaphore, #tpu.memory_space<semaphore_mem>>)
        %add3A_326 = arith.constant 280 : i32
        %add3A_327 = arith.addi %mul3A_120, %add3A_326 : i32
        %add3A_328 = arith.constant 400 : i32
        %add3A_329 = arith.addi %add3A_327, %add3A_328 : i32
        %add3A_330 = arith.addi %mul3A_2, %add3A_327 : i32
        %dma_wait3A_331 = arith.constant 0 : i32
        %dma_wait3A_332 = tpu.memref_slice %arg4[%add3A_330, %dma_wait3A_331] : memref<204800x128xf32, #tpu.memory_space<hbm>> -> memref<40x128xf32, #tpu.memory_space<hbm>>
        %dma_wait3A_333 = arith.constant 0 : i32
        %dma_wait3A_334 = tpu.memref_slice %arg4[%add3A_330, %dma_wait3A_333] : memref<204800x128xf32, #tpu.memory_space<hbm>> -> memref<40x128xf32, #tpu.memory_space<hbm>>
        tpu.wait_dma2 semaphore(%arg34 : memref<!tpu.dma_semaphore, #tpu.memory_space<semaphore_mem>>) src(%arg14 : memref<40x128xf32, #tpu.memory_space<vmem>>) dst(%dma_wait3A_334 : memref<40x128xf32, #tpu.memory_space<hbm>>)
        %dma_start3A_335 = tpu.memref_slice %arg6[%add3A_329] : memref<6400xi32, #tpu.memory_space<vmem>> -> memref<40xi32, #tpu.memory_space<vmem>>
        %dma_start3A_336 = arith.constant 0 : i32
        %dma_start3A_337 = arith.constant 0 : i32
        %dma_start3A_338 = tpu.memref_slice %arg5[%dma_start3A_336, %dma_start3A_337] : memref<189x128xf32, #tpu.memory_space<vmem_shared>> -> memref<189x128xf32, #tpu.memory_space<vmem_shared>>
        tpu.enqueue_indirect_dma source(%dma_start3A_338 : memref<189x128xf32, #tpu.memory_space<vmem_shared>>) target(%arg14 : memref<40x128xf32, #tpu.memory_space<vmem>>) offsets(%dma_start3A_335 : memref<40xi32, #tpu.memory_space<vmem>>) semaphore(%arg24 : memref<!tpu.dma_semaphore, #tpu.memory_space<semaphore_mem>>)
        %add3A_339 = arith.constant 320 : i32
        %add3A_340 = arith.addi %mul3A_120, %add3A_339 : i32
        %add3A_341 = arith.constant 400 : i32
        %add3A_342 = arith.addi %add3A_340, %add3A_341 : i32
        %add3A_343 = arith.addi %mul3A_2, %add3A_340 : i32
        %dma_wait3A_344 = arith.constant 0 : i32
        %dma_wait3A_345 = tpu.memref_slice %arg4[%add3A_343, %dma_wait3A_344] : memref<204800x128xf32, #tpu.memory_space<hbm>> -> memref<40x128xf32, #tpu.memory_space<hbm>>
        %dma_wait3A_346 = arith.constant 0 : i32
        %dma_wait3A_347 = tpu.memref_slice %arg4[%add3A_343, %dma_wait3A_346] : memref<204800x128xf32, #tpu.memory_space<hbm>> -> memref<40x128xf32, #tpu.memory_space<hbm>>
        tpu.wait_dma2 semaphore(%arg35 : memref<!tpu.dma_semaphore, #tpu.memory_space<semaphore_mem>>) src(%arg15 : memref<40x128xf32, #tpu.memory_space<vmem>>) dst(%dma_wait3A_347 : memref<40x128xf32, #tpu.memory_space<hbm>>)
        %dma_start3A_348 = tpu.memref_slice %arg6[%add3A_342] : memref<6400xi32, #tpu.memory_space<vmem>> -> memref<40xi32, #tpu.memory_space<vmem>>
        %dma_start3A_349 = arith.constant 0 : i32
        %dma_start3A_350 = arith.constant 0 : i32
        %dma_start3A_351 = tpu.memref_slice %arg5[%dma_start3A_349, %dma_start3A_350] : memref<189x128xf32, #tpu.memory_space<vmem_shared>> -> memref<189x128xf32, #tpu.memory_space<vmem_shared>>
        tpu.enqueue_indirect_dma source(%dma_start3A_351 : memref<189x128xf32, #tpu.memory_space<vmem_shared>>) target(%arg15 : memref<40x128xf32, #tpu.memory_space<vmem>>) offsets(%dma_start3A_348 : memref<40xi32, #tpu.memory_space<vmem>>) semaphore(%arg25 : memref<!tpu.dma_semaphore, #tpu.memory_space<semaphore_mem>>)
        %add3A_352 = arith.constant 360 : i32
        %add3A_353 = arith.addi %mul3A_120, %add3A_352 : i32
        %add3A_354 = arith.constant 400 : i32
        %add3A_355 = arith.addi %add3A_353, %add3A_354 : i32
        %add3A_356 = arith.addi %mul3A_2, %add3A_353 : i32
        %dma_wait3A_357 = arith.constant 0 : i32
        %dma_wait3A_358 = tpu.memref_slice %arg4[%add3A_356, %dma_wait3A_357] : memref<204800x128xf32, #tpu.memory_space<hbm>> -> memref<40x128xf32, #tpu.memory_space<hbm>>
        %dma_wait3A_359 = arith.constant 0 : i32
        %dma_wait3A_360 = tpu.memref_slice %arg4[%add3A_356, %dma_wait3A_359] : memref<204800x128xf32, #tpu.memory_space<hbm>> -> memref<40x128xf32, #tpu.memory_space<hbm>>
        tpu.wait_dma2 semaphore(%arg36 : memref<!tpu.dma_semaphore, #tpu.memory_space<semaphore_mem>>) src(%arg16 : memref<40x128xf32, #tpu.memory_space<vmem>>) dst(%dma_wait3A_360 : memref<40x128xf32, #tpu.memory_space<hbm>>)
        %dma_start3A_361 = tpu.memref_slice %arg6[%add3A_355] : memref<6400xi32, #tpu.memory_space<vmem>> -> memref<40xi32, #tpu.memory_space<vmem>>
        %dma_start3A_362 = arith.constant 0 : i32
        %dma_start3A_363 = arith.constant 0 : i32
        %dma_start3A_364 = tpu.memref_slice %arg5[%dma_start3A_362, %dma_start3A_363] : memref<189x128xf32, #tpu.memory_space<vmem_shared>> -> memref<189x128xf32, #tpu.memory_space<vmem_shared>>
        tpu.enqueue_indirect_dma source(%dma_start3A_364 : memref<189x128xf32, #tpu.memory_space<vmem_shared>>) target(%arg16 : memref<40x128xf32, #tpu.memory_space<vmem>>) offsets(%dma_start3A_361 : memref<40xi32, #tpu.memory_space<vmem>>) semaphore(%arg26 : memref<!tpu.dma_semaphore, #tpu.memory_space<semaphore_mem>>)
      } else {
      }
    }
    %scan3A_58 = arith.constant 16 : i32
    %add3A_59 = arith.constant 6000 : i32
    %add3A_60 = arith.addi %mul3A_2, %add3A_59 : i32
    %dma_wait3A = arith.constant 0 : i32
    %dma_wait3A_61 = tpu.memref_slice %arg4[%add3A_60, %dma_wait3A] : memref<204800x128xf32, #tpu.memory_space<hbm>> -> memref<40x128xf32, #tpu.memory_space<hbm>>
    %dma_wait3A_62 = arith.constant 0 : i32
    %dma_wait3A_63 = tpu.memref_slice %arg4[%add3A_60, %dma_wait3A_62] : memref<204800x128xf32, #tpu.memory_space<hbm>> -> memref<40x128xf32, #tpu.memory_space<hbm>>
    tpu.wait_dma2 semaphore(%arg27 : memref<!tpu.dma_semaphore, #tpu.memory_space<semaphore_mem>>) src(%arg7 : memref<40x128xf32, #tpu.memory_space<vmem>>) dst(%dma_wait3A_63 : memref<40x128xf32, #tpu.memory_space<hbm>>)
    %add3A_64 = arith.constant 6040 : i32
    %add3A_65 = arith.addi %mul3A_2, %add3A_64 : i32
    %dma_wait3A_66 = arith.constant 0 : i32
    %dma_wait3A_67 = tpu.memref_slice %arg4[%add3A_65, %dma_wait3A_66] : memref<204800x128xf32, #tpu.memory_space<hbm>> -> memref<40x128xf32, #tpu.memory_space<hbm>>
    %dma_wait3A_68 = arith.constant 0 : i32
    %dma_wait3A_69 = tpu.memref_slice %arg4[%add3A_65, %dma_wait3A_68] : memref<204800x128xf32, #tpu.memory_space<hbm>> -> memref<40x128xf32, #tpu.memory_space<hbm>>
    tpu.wait_dma2 semaphore(%arg28 : memref<!tpu.dma_semaphore, #tpu.memory_space<semaphore_mem>>) src(%arg8 : memref<40x128xf32, #tpu.memory_space<vmem>>) dst(%dma_wait3A_69 : memref<40x128xf32, #tpu.memory_space<hbm>>)
    %add3A_70 = arith.constant 6080 : i32
    %add3A_71 = arith.addi %mul3A_2, %add3A_70 : i32
    %dma_wait3A_72 = arith.constant 0 : i32
    %dma_wait3A_73 = tpu.memref_slice %arg4[%add3A_71, %dma_wait3A_72] : memref<204800x128xf32, #tpu.memory_space<hbm>> -> memref<40x128xf32, #tpu.memory_space<hbm>>
    %dma_wait3A_74 = arith.constant 0 : i32
    %dma_wait3A_75 = tpu.memref_slice %arg4[%add3A_71, %dma_wait3A_74] : memref<204800x128xf32, #tpu.memory_space<hbm>> -> memref<40x128xf32, #tpu.memory_space<hbm>>
    tpu.wait_dma2 semaphore(%arg29 : memref<!tpu.dma_semaphore, #tpu.memory_space<semaphore_mem>>) src(%arg9 : memref<40x128xf32, #tpu.memory_space<vmem>>) dst(%dma_wait3A_75 : memref<40x128xf32, #tpu.memory_space<hbm>>)
    %add3A_76 = arith.constant 6120 : i32
    %add3A_77 = arith.addi %mul3A_2, %add3A_76 : i32
    %dma_wait3A_78 = arith.constant 0 : i32
    %dma_wait3A_79 = tpu.memref_slice %arg4[%add3A_77, %dma_wait3A_78] : memref<204800x128xf32, #tpu.memory_space<hbm>> -> memref<40x128xf32, #tpu.memory_space<hbm>>
    %dma_wait3A_80 = arith.constant 0 : i32
    %dma_wait3A_81 = tpu.memref_slice %arg4[%add3A_77, %dma_wait3A_80] : memref<204800x128xf32, #tpu.memory_space<hbm>> -> memref<40x128xf32, #tpu.memory_space<hbm>>
    tpu.wait_dma2 semaphore(%arg30 : memref<!tpu.dma_semaphore, #tpu.memory_space<semaphore_mem>>) src(%arg10 : memref<40x128xf32, #tpu.memory_space<vmem>>) dst(%dma_wait3A_81 : memref<40x128xf32, #tpu.memory_space<hbm>>)
    %add3A_82 = arith.constant 6160 : i32
    %add3A_83 = arith.addi %mul3A_2, %add3A_82 : i32
    %dma_wait3A_84 = arith.constant 0 : i32
    %dma_wait3A_85 = tpu.memref_slice %arg4[%add3A_83, %dma_wait3A_84] : memref<204800x128xf32, #tpu.memory_space<hbm>> -> memref<40x128xf32, #tpu.memory_space<hbm>>
    %dma_wait3A_86 = arith.constant 0 : i32
    %dma_wait3A_87 = tpu.memref_slice %arg4[%add3A_83, %dma_wait3A_86] : memref<204800x128xf32, #tpu.memory_space<hbm>> -> memref<40x128xf32, #tpu.memory_space<hbm>>
    tpu.wait_dma2 semaphore(%arg31 : memref<!tpu.dma_semaphore, #tpu.memory_space<semaphore_mem>>) src(%arg11 : memref<40x128xf32, #tpu.memory_space<vmem>>) dst(%dma_wait3A_87 : memref<40x128xf32, #tpu.memory_space<hbm>>)
    %add3A_88 = arith.constant 6200 : i32
    %add3A_89 = arith.addi %mul3A_2, %add3A_88 : i32
    %dma_wait3A_90 = arith.constant 0 : i32
    %dma_wait3A_91 = tpu.memref_slice %arg4[%add3A_89, %dma_wait3A_90] : memref<204800x128xf32, #tpu.memory_space<hbm>> -> memref<40x128xf32, #tpu.memory_space<hbm>>
    %dma_wait3A_92 = arith.constant 0 : i32
    %dma_wait3A_93 = tpu.memref_slice %arg4[%add3A_89, %dma_wait3A_92] : memref<204800x128xf32, #tpu.memory_space<hbm>> -> memref<40x128xf32, #tpu.memory_space<hbm>>
    tpu.wait_dma2 semaphore(%arg32 : memref<!tpu.dma_semaphore, #tpu.memory_space<semaphore_mem>>) src(%arg12 : memref<40x128xf32, #tpu.memory_space<vmem>>) dst(%dma_wait3A_93 : memref<40x128xf32, #tpu.memory_space<hbm>>)
    %add3A_94 = arith.constant 6240 : i32
    %add3A_95 = arith.addi %mul3A_2, %add3A_94 : i32
    %dma_wait3A_96 = arith.constant 0 : i32
    %dma_wait3A_97 = tpu.memref_slice %arg4[%add3A_95, %dma_wait3A_96] : memref<204800x128xf32, #tpu.memory_space<hbm>> -> memref<40x128xf32, #tpu.memory_space<hbm>>
    %dma_wait3A_98 = arith.constant 0 : i32
    %dma_wait3A_99 = tpu.memref_slice %arg4[%add3A_95, %dma_wait3A_98] : memref<204800x128xf32, #tpu.memory_space<hbm>> -> memref<40x128xf32, #tpu.memory_space<hbm>>
    tpu.wait_dma2 semaphore(%arg33 : memref<!tpu.dma_semaphore, #tpu.memory_space<semaphore_mem>>) src(%arg13 : memref<40x128xf32, #tpu.memory_space<vmem>>) dst(%dma_wait3A_99 : memref<40x128xf32, #tpu.memory_space<hbm>>)
    %add3A_100 = arith.constant 6280 : i32
    %add3A_101 = arith.addi %mul3A_2, %add3A_100 : i32
    %dma_wait3A_102 = arith.constant 0 : i32
    %dma_wait3A_103 = tpu.memref_slice %arg4[%add3A_101, %dma_wait3A_102] : memref<204800x128xf32, #tpu.memory_space<hbm>> -> memref<40x128xf32, #tpu.memory_space<hbm>>
    %dma_wait3A_104 = arith.constant 0 : i32
    %dma_wait3A_105 = tpu.memref_slice %arg4[%add3A_101, %dma_wait3A_104] : memref<204800x128xf32, #tpu.memory_space<hbm>> -> memref<40x128xf32, #tpu.memory_space<hbm>>
    tpu.wait_dma2 semaphore(%arg34 : memref<!tpu.dma_semaphore, #tpu.memory_space<semaphore_mem>>) src(%arg14 : memref<40x128xf32, #tpu.memory_space<vmem>>) dst(%dma_wait3A_105 : memref<40x128xf32, #tpu.memory_space<hbm>>)
    %add3A_106 = arith.constant 6320 : i32
    %add3A_107 = arith.addi %mul3A_2, %add3A_106 : i32
    %dma_wait3A_108 = arith.constant 0 : i32
    %dma_wait3A_109 = tpu.memref_slice %arg4[%add3A_107, %dma_wait3A_108] : memref<204800x128xf32, #tpu.memory_space<hbm>> -> memref<40x128xf32, #tpu.memory_space<hbm>>
    %dma_wait3A_110 = arith.constant 0 : i32
    %dma_wait3A_111 = tpu.memref_slice %arg4[%add3A_107, %dma_wait3A_110] : memref<204800x128xf32, #tpu.memory_space<hbm>> -> memref<40x128xf32, #tpu.memory_space<hbm>>
    tpu.wait_dma2 semaphore(%arg35 : memref<!tpu.dma_semaphore, #tpu.memory_space<semaphore_mem>>) src(%arg15 : memref<40x128xf32, #tpu.memory_space<vmem>>) dst(%dma_wait3A_111 : memref<40x128xf32, #tpu.memory_space<hbm>>)
    %add3A_112 = arith.constant 6360 : i32
    %add3A_113 = arith.addi %mul3A_2, %add3A_112 : i32
    %dma_wait3A_114 = arith.constant 0 : i32
    %dma_wait3A_115 = tpu.memref_slice %arg4[%add3A_113, %dma_wait3A_114] : memref<204800x128xf32, #tpu.memory_space<hbm>> -> memref<40x128xf32, #tpu.memory_space<hbm>>
    %dma_wait3A_116 = arith.constant 0 : i32
    %dma_wait3A_117 = tpu.memref_slice %arg4[%add3A_113, %dma_wait3A_116] : memref<204800x128xf32, #tpu.memory_space<hbm>> -> memref<40x128xf32, #tpu.memory_space<hbm>>
    tpu.wait_dma2 semaphore(%arg36 : memref<!tpu.dma_semaphore, #tpu.memory_space<semaphore_mem>>) src(%arg16 : memref<40x128xf32, #tpu.memory_space<vmem>>) dst(%dma_wait3A_117 : memref<40x128xf32, #tpu.memory_space<hbm>>)
    return
  }
}

</mosaic_0001>

<sc_bundles>
// kernel: _gather_rows.3.cloned.1.call-start
scs
__scs_entry_jumppad:
0x0: {  	(pc) =	sbr.rel $0x88, $3  }
0x1: {  	(tag) =	ssettag $0x0;
	lr =	simm.s32 $0x1  }
0x2: {  	[smem:$0x3F9F] =	sst lr;
	_ =	strace $0xD0000000  }
0x3: {  	_ = 	snop  }
0x4: {  	_ = 	snop  }
0x5: {  	_ = 	snop  }
0x6: {  	_ = 	snop  }
0x7: {  	_ = 	snop  }
__scs_overlays_trampoline_lowered:
0x8: {  	[smem:$0x3FAE] =	sst s0  }
0x9: {  	[smem:$0x3FAF] =	sst s1  }
0xa: {  	[smem:$0x3FB0] =	sst s2  }
0xb: {  	[smem:$0x3FB1] =	sst s3  }
0xc: {  	[smem:$0x3FB2] =	sst s4  }
0xd: {  	[smem:$0x3FB3] =	sst s5  }
0xe: {  	[smem:$0x3FB4] =	sst s6  }
0xf: {  	[smem:$0x3FB5] =	sst s7  }
0x10: {  	[smem:$0x3FB6] =	sst s8  }
0x11: {  	[smem:$0x3FB7] =	sst s9;
	s0 =	simm.s32 @!p0 $0x0  }
0x12: {  	s1 =	sld [smem:$0x3F9D];
	s0 =	simm.s32 @p0 $0x1  }
0x13: {  	[smem:$0x3FB8] =	sst s0;
	s0 =	simm.s32 @!p1 $0x0  }
0x14: {  	s2 =	sld [smem:$0x3F9C];
	s0 =	simm.s32 @p1 $0x1  }
0x15: {  	[smem:$0x3FB9] =	sst s0;
	s0 =	simm.s32 @!p2 $0x0  }
0x16: {  	s3 =	sld [smem:$0x3FDB];
	s0 =	simm.s32 @p2 $0x1  }
0x17: {  	s4 =	simm.s32 $0x1BF5;
	[smem:$0x3FBB] =	sst s0  }
0x18: {  	s0 =	sld [smem:$0x3F9E];
	_ =	swait.ge [sflag:s4], $0x0  }
0x19: {  	s7 =	sld [smem:$0x3F9F]  }
0x1a: {  	s8 =	sadd.s32 $0xFFFFE003, lr  }
0x1b: {  	s9 =	sadd.s32 $0xFFFFFEF7, lr;
	s5 =	simm.s32 $0xFFFFFFFF;
	p2 =	slt.u32 s8, $0xFFFFF086  }
0x1c: {  	p1 =	slt.u32 s9, $0xF7A;
	s5 =	simm.s32 @!p2 $0x0  }
0x1d: {  	s5 =	simm.s32 @p1 $0x1;
	p0 =	seq.s32 s7, s2  }
0x1e: {  	s7 =	smul.u32 @!p0 $0xF7A, s2;
	p2 =	seq.s32 @!p0 s5, $0x0  }
0x1f: {  	s9 =	smul.u32 $0xF7A, s1;
	s8 =	simm.s32 @!p0 $0x1BF5;
	p2 =	por !p2, p0  }
0x20: {  	[sflag:s8] =	ssyncset.s32 @!p0 $0xFFFFF086;
	s6 =	sadd.s32 @!p0 s3, s7;
	s7 =	simm.s32 @!p0 $0x108  }
0x21: {  	s3 =	sadd.s32 s3, s9;
	s6 =	sadd.s32 @!p0 $0x88, s6;
	s7 =	simm.s32 @p2 $0x1082  }
0x22: {  	[simem:s7], [sflag:s8] =	dma.local @!p0 [hbm:s6], $0xF7A  }
0x23: {  	s9 =	sor.u32 $0xD0000000, s2;
	s6 =	simm.s32 $0x108;
	_ =	swait.ge @!p0 [sflag:s8], $0x0  }
0x24: {  	s3 =	sadd.s32 $0x88, s3;
	s6 =	simm.s32 @!p1 $0x1082;
	[sflag:s4] =	ssyncset.s32 $0xFFFFF086  }
0x25: {  	[simem:s6], [sflag:s4] =	dma.local [hbm:s3], $0xF7A  }
0x26: {  	[smem:$0x3F9F] =	sst s1;
	(tag) =	ssettag s2;
	_ =	strace s9  }
0x27: {  	s1 =	sld [smem:$0x3FAF]  }
0x28: {  	s2 =	sld [smem:$0x3FB0]  }
0x29: {  	s4 =	sld [smem:$0x3FB2]  }
0x2a: {  	p0 =	seq.s32 s5, $0x0;
	s5 =	sld [smem:$0x3FB3]  }
0x2b: {  	s6 =	sld [smem:$0x3FB4]  }
0x2c: {  	s7 =	sld [smem:$0x3FB5]  }
0x2d: {  	s3 =	simm.s32 $0x108;
	s8 =	sld [smem:$0x3FB6]  }
0x2e: {  	s3 =	simm.s32 @!p0 $0x1082;
	s9 =	sld [smem:$0x3FB7]  }
0x2f: {  	lr =	sadd.s32 s0, s3;
	s0 =	sld [smem:$0x3FAE]  }
0x30: {  	s3 =	sld [smem:$0x3FB1]  }
0x31: {  	[smem:$0x3FBA] =	sst s10  }
0x32: {  	s10 =	sld [smem:$0x3FB8];
	_ =	sdelay $0x3  }
0x33: {  	p0 =	seq.s32 s10, $0x1;
	s10 =	sld [smem:$0x3FBA];
	_ =	sdelay $0x3  }
0x34: {  	[smem:$0x3FBA] =	sst s10  }
0x35: {  	s10 =	sld [smem:$0x3FB9];
	_ =	sdelay $0x3  }
0x36: {  	p1 =	seq.s32 s10, $0x1;
	s10 =	sld [smem:$0x3FBA];
	_ =	sdelay $0x3  }
0x37: {  	[smem:$0x3FBA] =	sst s10  }
0x38: {  	s10 =	sld [smem:$0x3FBB]  }
0x39: {  	_ = 	snop;
	(pc) =	sbr.ind lr, $3  }
0x3a: {  	_ = 	snop  }
0x3b: {  	_ = 	snop  }
0x3c: {  	p2 =	seq.s32 s10, $0x1;
	s10 =	sld [smem:$0x3FBA]  }
0x3d: {  	_ =	shalt  }
0x3e: {  	_ =	shalt  }
0x3f: {  	_ =	shalt  }
0x40: {  	_ =	shalt  }
0x41: {  	_ =	shalt  }
0x42: {  	_ =	shalt  }
0x43: {  	_ =	shalt  }
0x44: {  	_ =	shalt  }
0x45: {  	_ =	shalt  }
0x46: {  	_ =	shalt  }
0x47: {  	_ =	shalt  }
0x48: {  	_ =	shalt  }
0x49: {  	_ =	shalt  }
0x4a: {  	_ =	shalt  }
0x4b: {  	_ =	shalt  }
0x4c: {  	_ =	shalt  }
0x4d: {  	_ =	shalt  }
0x4e: {  	_ =	shalt  }
0x4f: {  	_ =	shalt  }
0x50: {  	_ =	shalt  }
0x51: {  	_ =	shalt  }
0x52: {  	_ =	shalt  }
0x53: {  	_ =	shalt  }
0x54: {  	_ =	shalt  }
0x55: {  	_ =	shalt  }
0x56: {  	_ =	shalt  }
0x57: {  	_ =	shalt  }
0x58: {  	_ =	shalt  }
0x59: {  	_ =	shalt  }
0x5a: {  	_ =	shalt  }
0x5b: {  	_ =	shalt  }
0x5c: {  	_ =	shalt  }
0x5d: {  	_ =	shalt  }
0x5e: {  	_ =	shalt  }
0x5f: {  	_ =	shalt  }
0x60: {  	_ =	shalt  }
0x61: {  	_ =	shalt  }
0x62: {  	_ =	shalt  }
0x63: {  	_ =	shalt  }
0x64: {  	_ =	shalt  }
0x65: {  	_ =	shalt  }
0x66: {  	_ =	shalt  }
0x67: {  	_ =	shalt  }
0x68: {  	_ =	shalt  }
0x69: {  	_ =	shalt  }
0x6a: {  	_ =	shalt  }
0x6b: {  	_ =	shalt  }
0x6c: {  	_ =	shalt  }
0x6d: {  	_ =	shalt  }
0x6e: {  	_ =	shalt  }
0x6f: {  	_ =	shalt  }
0x70: {  	_ =	shalt  }
0x71: {  	_ =	shalt  }
0x72: {  	_ =	shalt  }
0x73: {  	_ =	shalt  }
0x74: {  	_ =	shalt  }
0x75: {  	_ =	shalt  }
0x76: {  	_ =	shalt  }
0x77: {  	_ =	shalt  }
0x78: {  	_ =	shalt  }
0x79: {  	_ =	shalt  }
0x7a: {  	_ =	shalt  }
0x7b: {  	_ =	shalt  }
0x7c: {  	_ =	shalt  }
0x7d: {  	_ =	shalt  }
0x7e: {  	_ =	shalt  }
0x7f: {  	_ =	shalt  }
0x80: {  	_ =	shalt  }
0x81: {  	_ =	shalt  }
0x82: {  	_ =	shalt  }
0x83: {  	_ =	shalt  }
0x84: {  	_ =	shalt  }
0x85: {  	_ =	shalt  }
0x86: {  	_ =	shalt  }
0x87: {  	_ =	shalt  }
.Lfunc_end0:
.L_simem_size_0:
called_computation_lowered:
.L_overlay_start_0:
0x88: {  	s2 =	sld [smem:$0x3FD9]  }
0x89: {  	s3 =	sld [smem:$0x3FFE];
	_ =	sdelay $0x1  }
0x8a: {  	s1 =	srdreg.scid  }
0x8b: {  	s0 =	sand.u32 $0x1, s1  }
0x8c: {  	s18 =	sshll.u32 s0, $0xA;
	s2 =	sadd.s32 s3, s2  }
0x8d: {  	s2 =	sadd.s32 s2, s18  }
0x8e: {  	[smem:$0x3FC6] =	sst s2  }
0x8f: {  	_ = 	snop  }
0x90: {  	s2 =	sld [smem:$0x3FC9]  }
0x91: {  	s19 =	sld [smem:$0x3FC8]  }
0x92: {  	s4 =	sld [smem:$0x3FD0];
	(tm) =	ssettm $0x1  }
0x93: {  	s5 =	sld [smem:$0x3FFB];
	_ =	sdelay $0x3  }
0x94: {  	_ =	strace s5  }
0x95: {  	s5 =	sld [smem:$0x3FFC];
	_ =	sdelay $0x3  }
0x96: {  	_ =	strace s5  }
0x97: {  	s5 =	sld [smem:$0x3FFD];
	_ =	sdelay $0x3  }
0x98: {  	_ =	strace s5  }
0x99: {  	_ =	strace $0x8FFFFFFF  }
0x9a: {  	s20 =	sld [smem:$0x3FDB];
	_ =	sdelay $0x1  }
0x9b: {  	s6 =	simm.s32 $_scs_section_size  }
0x9c: {  	s7 =	simm.s32 $_size__tile_overlayer_lowered;
	s8 =	simm.s32 $_tile_overlayer_lowered  }
0x9d: {  	s23 =	simm.s32 $0x1BFF;
	s22 =	sshll.u32 s8, $0x1;
	s5 =	sadd.s32 s6, s20  }
0x9e: {  	s9 =	simm.s32 $0x0;
	s21 =	sshll.u32 s7, $0x1;
	s7 =	sadd.s32 s22, s5  }
0x9f: {  	[timem:s9], [sflag:s23] =	dma.local [hbm:s7], s21  }
0xa0: {  	_ =	swait.ge [sflag:s23], s21  }
0xa1: {  	s6 =	ssub.s32 $0x0, s21;
	[sflag:s23] =	ssyncset.done $0x0  }
0xa2: {  	[sflag:s23] =	ssyncadd.s32 s6;
	_ =	sdelay $0x1  }
0xa3: {  	s24 =	simm.s32 $0x1B8B  }
0xa4: {  	_ =	swait.ge [sflag:s24], $0x1  }
0xa5: {  	[sflag:s24] =	ssyncset.done $0x0  }
0xa6: {  	s25 =	simm.s32 $0x1B8E;
	[sflag:s24] =	ssyncadd.s32 $0xFFFFFFFF  }
0xa7: {  	s26 =	simm.s32 $execute0_lowered;
	[smem:$0x3FD2] =	sst s25  }
0xa8: {  	s6 =	sshll.u32 s26, $0x1;
	_ =	strace $0x80000046;
	[dreg:$0x1] =	wrdreg $0xFFFFFFFF  }
0xa9: {  	s28 =	simm.s32 $_size_execute0_lowered;
	s5 =	sadd.s32 s5, s6;
	[dreg:$0x0] =	wrdreg $0x0  }
0xaa: {  	s6 =	sshll.u32 s28, $0x1;
	[dreg:$0x2] =	wrdreg s5  }
0xab: {  	[dreg:$0x3] =	wrdreg s6  }
0xac: {  	[dreg:$0x4] =	wrdreg $0xC0  }
0xad: {  	_ =	task [dreg:s9], $0x5FFFF  }
0xae: {  	[dreg:$0x1] =	wrdreg $0xFFFFFFFF  }
0xaf: {  	[dreg:$0x0] =	wrdreg $0x60  }
0xb0: {  	[dreg:$0x2] =	wrdreg s2  }
0xb1: {  	[dreg:$0x3] =	wrdreg s19  }
0xb2: {  	[dreg:$0x4] =	wrdreg s4  }
0xb3: {  	[dreg:$0x5] =	wrdreg $0x0  }
0xb4: {  	[dreg:$0x6] =	wrdreg $0x9  }
0xb5: {  	_ =	task.clear_ibuf [dreg:s9], $0x7FFFF;
	_ =	strace $0x90000046  }
0xb6: {  	s29 =	simm.s32 $0x9;
	_ =	strace $0x80000048  }
0xb7: {  	_ =	swait.ge [sflag:s29], $0x1  }
0xb8: {  	[sflag:s29] =	ssyncadd.s32 $0xFFFFFFFF  }
0xb9: {  	_ =	strace $0x90000048  }
0xba: {  	_ =	sfence  }
0xbb: {  	s30 =	sld [smem:$0x0];
	_ =	sdelay $0x2  }
0xbc: {  	s31 =	sshll.u32 s1, $0xD;
	s1 =	sshrl.u32 s1, $0x2  }
0xbd: {  	s3 =	sand.u32 $0x4000, s31;
	s1 =	sadd.s32 s1, s30  }
0xbe: {  	s0 =	sor.u32 s3, s0;
	s1 =	sshll.u32 s1, $0x11  }
0xbf: {  	s0 =	sor.u32 s1, s0  }
0xc0: {  	s0 =	sadd.s32 $0x8F2B, s0  }
0xc1: {  	[sflag:s0] =	ssyncadd.remote.s32 $0x1  }
0xc2: {  	_ =	sfence.sel $0xFFFF  }
0xc3: {  	[dreg:$0x0] =	wrdreg $0xFFFFFFFF;
	(pc) =	sbr.abs _section_cstart, $3  }
0xc4: {  	[dreg:$0x1] =	wrdreg $0xFFFFFFFF  }
0xc5: {  	_ =	task.clear_ibuf [dreg:s9], $0x2FFFF;
	_ =	strace $0x9FFFFFFF  }
0xc6: {  	(tm) =	ssettm $0x7FFFFFFF  }
0xc7: {  	_ =	shalt  }
tec
execute0_lowered:
.L_overlay_start_1:
0x0: {  	(tag) =	ssettag $0x1  }
0x1: {  	s0 =	rddreg [dreg:$0x0]  }
0x2: {  	s1 =	rddreg [dreg:$0x2];
	s3 =	srdreg.scid  }
0x3: {  	s4 =	stileid.u32;
	s2 =	rddreg [dreg:$0x3];
	s10 =	simm.s32 $0x28  }
0x4: {  	s21 =	simm.s32 $0x1EE8;
	s23 =	simm.s32 $0x32E8;
	s28 =	simm.s32 $0x5AE8  }
0x5: {  	s30 =	simm.s32 $0x6EE8;
	s12 =	simm.s32 $0xAAE8;
	s18 =	simm.s32 $0x7  }
0x6: {  	s20 =	simm.s32 $0x8;
	s22 =	simm.s32 $0x9;
	s24 =	simm.s32 $0xA  }
0x7: {  	s29 =	simm.s32 $0xC;
	s11 =	simm.s32 $0x13;
	s13 =	simm.s32 $0x14  }
0x8: {  	s14 =	simm.s32 $0x0;
	s31 =	simm.s32 $0x6EE8;
	s5 =	sand.u32 $0x1, s3  }
0x9: {  	s6 =	sshll.u32 s4, $0x1;
	s3 =	simm.s32 $0x0;
	s9 =	smul.u32 $0x32000, s4  }
0xa: {  	p0 =	sne.s32 s4, $0x0;
	s4 =	simm.s32 $0xD;
	s6 =	sor.u32 s5, s6  }
0xb: {  	[smem:$0x7FF] =	sst s3;
	s7 =	ssub.s32 $0x2, s5;
	s25 =	smul.u32 $0x19000, s5  }
0xc: {  	s5 =	simm.s32 $0xE;
	s6 =	smul.u32 $0x1900, s6;
	_ =	strace $0x80000047  }
0xd: {  	s8 =	sshrl.u32 s7, $0x1;
	s1 =	sadd.s32 s9, s1;
	s9 =	simm.s32 $0x11  }
0xe: {  	s7 =	ssub.s32 s7, s8;
	s8 =	simm.s32 $0xF;
	s6 =	sshrl.u32 s6, $0x3  }
.Ltmp0:
0xf: {  	s26 =	smax.u32 s7, $0x1;
	s7 =	simm.s32 $0x10;
	(pc) =	sbr.rel .LBB2_1-.Ltmp0, $4  }
0x10: {  	s0 =	sadd.s32 s0, s6;
	[dreg:$0x6] =	wrdreg s26;
	s26 =	simm.s32 $0xB  }
0x11: {  	s6 =	simm.s32 $0x12;
	[dreg:$0x5] =	wrdreg s0;
	s0 =	sadd.s32 s25, s1  }
0x12: {  	s25 =	simm.s32 $0x46E8;
	[dreg:$0x7] =	wrdreg s0;
	s0 =	sshrl.u32 @!p0 s2, $0x3  }
0x13: {  	s1 =	simm.s32 $0x82E8;
	[dreg:$0x8] =	wrdreg s0;
	s0 =	simm.s32 $0x96E8  }
.LBB2_4:
0x14: {  	_ =	swait.ge [sflag:s29], $0x1400  }
0x15: {  	[sflag:s29] =	ssyncset.done $0x0  }
0x16: {  	[sflag:s29] =	ssyncadd.s32 $0xFFFFEC00  }
0x17: {  	_ =	swait.ge [sflag:s4], $0x1400  }
0x18: {  	[sflag:s4] =	ssyncset.done $0x0  }
0x19: {  	[sflag:s4] =	ssyncadd.s32 $0xFFFFEC00  }
0x1a: {  	_ =	swait.ge [sflag:s5], $0x1400  }
0x1b: {  	[sflag:s5] =	ssyncset.done $0x0  }
0x1c: {  	[sflag:s5] =	ssyncadd.s32 $0xFFFFEC00  }
0x1d: {  	_ =	swait.ge [sflag:s8], $0x1400  }
0x1e: {  	[sflag:s8] =	ssyncset.done $0x0  }
0x1f: {  	[sflag:s8] =	ssyncadd.s32 $0xFFFFEC00  }
0x20: {  	_ =	swait.ge [sflag:s7], $0x1400  }
0x21: {  	[sflag:s7] =	ssyncset.done $0x0  }
0x22: {  	[sflag:s7] =	ssyncadd.s32 $0xFFFFEC00  }
0x23: {  	_ =	swait.ge [sflag:s9], $0x1400  }
0x24: {  	[sflag:s9] =	ssyncset.done $0x0  }
0x25: {  	[sflag:s9] =	ssyncadd.s32 $0xFFFFEC00  }
0x26: {  	_ =	swait.ge [sflag:s6], $0x1400  }
0x27: {  	[sflag:s6] =	ssyncset.done $0x0  }
0x28: {  	[sflag:s6] =	ssyncadd.s32 $0xFFFFEC00  }
0x29: {  	_ =	swait.ge [sflag:s11], $0x1400  }
0x2a: {  	[sflag:s11] =	ssyncset.done $0x0  }
0x2b: {  	[sflag:s11] =	ssyncadd.s32 $0xFFFFEC00  }
0x2c: {  	_ =	swait.ge [sflag:s13], $0x1400  }
0x2d: {  	s14 =	rddreg [dreg:$0x9]  }
0x2e: {  	s15 =	rddreg [dreg:$0x6];
	s14 =	sadd.s32 $0x1, s14  }
0x2f: {  	p1 =	sne.s32 s14, s15  }
.Ltmp1:
0x30: {  	_ = 	snop;
	(pc) =	sbr.rel @!p1 .LBB2_5-.Ltmp1, $4  }
0x31: {  	s21 =	simm.s32 $0x1EE8  }
0x32: {  	s23 =	simm.s32 $0x32E8;
	s25 =	simm.s32 $0x46E8;
	s28 =	simm.s32 $0x5AE8  }
0x33: {  	s30 =	simm.s32 $0x6EE8;
	s1 =	simm.s32 $0x82E8;
	[sflag:s13] =	ssyncset.done $0x0  }
0x34: {  	s0 =	simm.s32 $0x96E8;
	s12 =	simm.s32 $0xAAE8;
	[sflag:s13] =	ssyncadd.s32 $0xFFFFEC00  }
.LBB2_1:
0x35: {  	[dreg:$0x9] =	wrdreg s14  }
0x36: {  	s17 =	rddreg [dreg:$0x1]  }
0x37: {  	s15 =	simm.s32 @!p0 $0x1C15;
	s19 =	rddreg [dreg:$0x8]  }
0x38: {  	[spmem:s19], [sflag:s15] =	dma.local @!p0 [hbm:s17], $0xBD0  }
0x39: {  	s15 =	simm.s32 @!p0 $0x15  }
0x3a: {  	_ =	swait.ge @!p0 [sflag:s15], $0xBD0  }
0x3b: {  	s14 =	simm.s32 $0x5E8;
	[sflag:s15] =	ssyncset.done @!p0 $0x0  }
0x3c: {  	s16 =	simm.s32 $0x15;
	s19 =	rddreg [dreg:$0x5];
	[sflag:s15] =	ssyncadd.s32 @!p0 $0xFFFFF430  }
0x3d: {  	[tilespmem:s14], [sflag:$0x15] =	stream.linear.gather [hbm4b:s19+s3], $0x1900, $0x38;
	[tilespmem:$0xE6E8] =	vst v63  }
0x3e: {  	_ =	swait.ge [sflag:s16], $0x1900  }
0x3f: {  	[sflag:s16] =	ssyncset.done $0x0  }
0x40: {  	[sflag:s16] =	ssyncadd.s32 $0xFFFFE700  }
0x41: {  	[bflag:$0x0] =	sbarrier.arrive $0xFFFF  }
0x42: {  	[tilespmem:s21], [sflag:$0x1] =	stream.indirect.gather [spmem:s2], $0x80, s14, s10, $0xb8;
	[tilespmem:$0xE6E8] =	vst v63  }
0x43: {  	s19 =	simm.s32 $0x610  }
0x44: {  	[tilespmem:s23], [sflag:$0x2] =	stream.indirect.gather [spmem:s2], $0x80, s19, s10, $0xb8;
	[tilespmem:$0xE6E8] =	vst v63  }
0x45: {  	s23 =	simm.s32 $0x638  }
0x46: {  	[tilespmem:s25], [sflag:$0x3] =	stream.indirect.gather [spmem:s2], $0x80, s23, s10, $0xb8;
	[tilespmem:$0xE6E8] =	vst v63  }
0x47: {  	s25 =	simm.s32 $0x660  }
0x48: {  	[tilespmem:s28], [sflag:$0x4] =	stream.indirect.gather [spmem:s2], $0x80, s25, s10, $0xb8;
	[tilespmem:$0xE6E8] =	vst v63  }
0x49: {  	s14 =	simm.s32 $0x688  }
0x4a: {  	[tilespmem:s30], [sflag:$0x5] =	stream.indirect.gather [spmem:s2], $0x80, s14, s10, $0xb8;
	[tilespmem:$0xE6E8] =	vst v63  }
0x4b: {  	s16 =	simm.s32 $0x6B0  }
0x4c: {  	[tilespmem:s1], [sflag:$0x6] =	stream.indirect.gather [spmem:s2], $0x80, s16, s10, $0xb8;
	[tilespmem:$0xE6E8] =	vst v63  }
0x4d: {  	s17 =	simm.s32 $0x6D8;
	s15 =	simm.s32 $0x8E0  }
0x4e: {  	[tilespmem:s0], [sflag:$0x7] =	stream.indirect.gather [spmem:s2], $0x80, s17, s10, $0xb8;
	[tilespmem:$0xE6E8] =	vst v63  }
0x4f: {  	s19 =	simm.s32 $0x700;
	s23 =	simm.s32 $0x728;
	s25 =	simm.s32 $0x750  }
0x50: {  	[tilespmem:s12], [sflag:$0x8] =	stream.indirect.gather [spmem:s2], $0x80, s19, s10, $0xb8;
	[tilespmem:$0xE6E8] =	vst v63  }
0x51: {  	s28 =	simm.s32 $0x46E8;
	s14 =	simm.s32 $0xBEE8;
	s30 =	simm.s32 $0x5AE8  }
0x52: {  	[tilespmem:s14], [sflag:$0x9] =	stream.indirect.gather [spmem:s2], $0x80, s23, s10, $0xb8;
	[tilespmem:$0xE6E8] =	vst v63  }
0x53: {  	s16 =	simm.s32 $0xD2E8;
	s1 =	simm.s32 $0x82E8;
	s17 =	simm.s32 $0x0  }
0x54: {  	[tilespmem:s16], [sflag:$0xA] =	stream.indirect.gather [spmem:s2], $0x80, s25, s10, $0xb8;
	[tilespmem:$0xE6E8] =	vst v63  }
0x55: {  	s0 =	simm.s32 $0x96E8;
	s12 =	simm.s32 $0xAAE8;
	s25 =	simm.s32 $0x32E8  }
.LBB2_2:
0x56: {  	s19 =	simm.s32 $0x1  }
0x57: {  	_ =	swait.ge [sflag:s19], $0x1400  }
0x58: {  	[sflag:s19] =	ssyncset.done $0x0;
	s23 =	rddreg [dreg:$0x7]  }
0x59: {  	[sflag:s19] =	ssyncadd.s32 $0xFFFFEC00;
	s19 =	sadd.s32 s17, s23;
	s23 =	simm.s32 $0x2  }
0x5a: {  	[hbm4b:s19+s3] =	stream.linear.scatter [tilespmem:s21], [sflag:$0xB], $0x1400, $0x38;
	[tilespmem:$0xE6E8] =	vst v63  }
0x5b: {  	_ =	swait.ge [sflag:s23], $0x1400  }
0x5c: {  	[sflag:s23] =	ssyncset.done $0x0  }
0x5d: {  	s21 =	sadd.s32 $0x280, s19;
	[sflag:s23] =	ssyncadd.s32 $0xFFFFEC00  }
0x5e: {  	[hbm4b:s21+s3] =	stream.linear.scatter [tilespmem:s25], [sflag:$0xC], $0x1400, $0x38;
	[tilespmem:$0xE6E8] =	vst v63  }
0x5f: {  	s21 =	simm.s32 $0x3  }
0x60: {  	_ =	swait.ge [sflag:s21], $0x1400  }
0x61: {  	[sflag:s21] =	ssyncset.done $0x0  }
0x62: {  	[sflag:s21] =	ssyncadd.s32 $0xFFFFEC00;
	s21 =	sadd.s32 $0x500, s19  }
0x63: {  	[hbm4b:s21+s3] =	stream.linear.scatter [tilespmem:s28], [sflag:$0xD], $0x1400, $0x38;
	[tilespmem:$0xE6E8] =	vst v63  }
0x64: {  	s21 =	simm.s32 $0x4  }
0x65: {  	_ =	swait.ge [sflag:s21], $0x1400  }
0x66: {  	[sflag:s21] =	ssyncset.done $0x0  }
0x67: {  	[sflag:s21] =	ssyncadd.s32 $0xFFFFEC00;
	s21 =	sadd.s32 $0x780, s19  }
0x68: {  	[hbm4b:s21+s3] =	stream.linear.scatter [tilespmem:s30], [sflag:$0xE], $0x1400, $0x38;
	[tilespmem:$0xE6E8] =	vst v63  }
0x69: {  	s21 =	simm.s32 $0x5  }
0x6a: {  	_ =	swait.ge [sflag:s21], $0x1400  }
0x6b: {  	[sflag:s21] =	ssyncset.done $0x0  }
0x6c: {  	[sflag:s21] =	ssyncadd.s32 $0xFFFFEC00;
	s21 =	sadd.s32 $0xA00, s19  }
0x6d: {  	[hbm4b:s21+s3] =	stream.linear.scatter [tilespmem:s31], [sflag:$0xF], $0x1400, $0x38;
	[tilespmem:$0xE6E8] =	vst v63  }
0x6e: {  	s21 =	simm.s32 $0x6  }
0x6f: {  	_ =	swait.ge [sflag:s21], $0x1400  }
0x70: {  	[sflag:s21] =	ssyncset.done $0x0  }
0x71: {  	[sflag:s21] =	ssyncadd.s32 $0xFFFFEC00;
	s21 =	sadd.s32 $0xC80, s19  }
0x72: {  	[hbm4b:s21+s3] =	stream.linear.scatter [tilespmem:s1], [sflag:$0x10], $0x1400, $0x38;
	[tilespmem:$0xE6E8] =	vst v63  }
0x73: {  	_ =	swait.ge [sflag:s18], $0x1400  }
0x74: {  	[sflag:s18] =	ssyncset.done $0x0  }
0x75: {  	s21 =	sadd.s32 $0xF00, s19;
	[sflag:s18] =	ssyncadd.s32 $0xFFFFEC00  }
0x76: {  	[hbm4b:s21+s3] =	stream.linear.scatter [tilespmem:s0], [sflag:$0x11], $0x1400, $0x38;
	[tilespmem:$0xE6E8] =	vst v63  }
0x77: {  	_ =	swait.ge [sflag:s20], $0x1400  }
0x78: {  	[sflag:s20] =	ssyncset.done $0x0  }
0x79: {  	s21 =	sadd.s32 $0x1180, s19;
	[sflag:s20] =	ssyncadd.s32 $0xFFFFEC00  }
0x7a: {  	[hbm4b:s21+s3] =	stream.linear.scatter [tilespmem:s12], [sflag:$0x12], $0x1400, $0x38;
	[tilespmem:$0xE6E8] =	vst v63  }
0x7b: {  	_ =	swait.ge [sflag:s22], $0x1400  }
0x7c: {  	[sflag:s22] =	ssyncset.done $0x0  }
0x7d: {  	s21 =	sadd.s32 $0x1400, s19;
	[sflag:s22] =	ssyncadd.s32 $0xFFFFEC00  }
0x7e: {  	[hbm4b:s21+s3] =	stream.linear.scatter [tilespmem:s14], [sflag:$0x13], $0x1400, $0x38;
	[tilespmem:$0xE6E8] =	vst v63  }
0x7f: {  	_ =	swait.ge [sflag:s24], $0x1400  }
0x80: {  	p1 =	seq.s32 s17, $0x17700;
	[sflag:s24] =	ssyncset.done $0x0  }
.Ltmp2:
0x81: {  	s19 =	sadd.s32 $0x1680, s19;
	[sflag:s24] =	ssyncadd.s32 $0xFFFFEC00;
	(pc) =	sbr.rel @p1 .LBB2_4-.Ltmp2, $4  }
0x82: {  	[hbm4b:s19+s3] =	stream.linear.scatter [tilespmem:s16], [sflag:$0x14], $0x1400, $0x38;
	[tilespmem:$0xE6E8] =	vst v63  }
0x83: {  	_ =	swait.ge [sflag:s26], $0x1400  }
0x84: {  	s23 =	simm.s32 $0x1EE8;
	[sflag:s26] =	ssyncset.done $0x0  }
0x85: {  	s14 =	simm.s32 $0xBEE8;
	s16 =	simm.s32 $0xD2E8;
	[sflag:s26] =	ssyncadd.s32 $0xFFFFEC00  }
0x86: {  	s19 =	sadd.s32 $0xFFFFFE98, s15  }
0x87: {  	[tilespmem:s23], [sflag:$0x1] =	stream.indirect.gather [spmem:s2], $0x80, s19, s10, $0xb8;
	[tilespmem:$0xE6E8] =	vst v63  }
0x88: {  	_ =	swait.ge [sflag:s29], $0x1400  }
0x89: {  	[sflag:s29] =	ssyncset.done $0x0  }
0x8a: {  	s21 =	sadd.s32 $0xFFFFFEC0, s15;
	[sflag:s29] =	ssyncadd.s32 $0xFFFFEC00  }
0x8b: {  	[tilespmem:s25], [sflag:$0x2] =	stream.indirect.gather [spmem:s2], $0x80, s21, s10, $0xb8;
	[tilespmem:$0xE6E8] =	vst v63  }
0x8c: {  	_ =	swait.ge [sflag:s4], $0x1400  }
0x8d: {  	[sflag:s4] =	ssyncset.done $0x0  }
0x8e: {  	s23 =	sadd.s32 $0xFFFFFEE8, s15;
	[sflag:s4] =	ssyncadd.s32 $0xFFFFEC00  }
0x8f: {  	[tilespmem:s28], [sflag:$0x3] =	stream.indirect.gather [spmem:s2], $0x80, s23, s10, $0xb8;
	[tilespmem:$0xE6E8] =	vst v63  }
0x90: {  	_ =	swait.ge [sflag:s5], $0x1400  }
0x91: {  	[sflag:s5] =	ssyncset.done $0x0  }
0x92: {  	s21 =	sadd.s32 $0xFFFFFF10, s15;
	[sflag:s5] =	ssyncadd.s32 $0xFFFFEC00  }
0x93: {  	[tilespmem:s30], [sflag:$0x4] =	stream.indirect.gather [spmem:s2], $0x80, s21, s10, $0xb8;
	[tilespmem:$0xE6E8] =	vst v63  }
0x94: {  	_ =	swait.ge [sflag:s8], $0x1400  }
0x95: {  	[sflag:s8] =	ssyncset.done $0x0  }
0x96: {  	s23 =	sadd.s32 $0xFFFFFF38, s15;
	[sflag:s8] =	ssyncadd.s32 $0xFFFFEC00  }
0x97: {  	[tilespmem:s31], [sflag:$0x5] =	stream.indirect.gather [spmem:s2], $0x80, s23, s10, $0xb8;
	[tilespmem:$0xE6E8] =	vst v63  }
0x98: {  	_ =	swait.ge [sflag:s7], $0x1400  }
0x99: {  	[sflag:s7] =	ssyncset.done $0x0  }
0x9a: {  	s21 =	sadd.s32 $0xFFFFFF60, s15;
	[sflag:s7] =	ssyncadd.s32 $0xFFFFEC00  }
0x9b: {  	[tilespmem:s1], [sflag:$0x6] =	stream.indirect.gather [spmem:s2], $0x80, s21, s10, $0xb8;
	[tilespmem:$0xE6E8] =	vst v63  }
0x9c: {  	_ =	swait.ge [sflag:s9], $0x1400  }
0x9d: {  	[sflag:s9] =	ssyncset.done $0x0  }
0x9e: {  	s23 =	sadd.s32 $0xFFFFFF88, s15;
	[sflag:s9] =	ssyncadd.s32 $0xFFFFEC00  }
0x9f: {  	[tilespmem:s0], [sflag:$0x7] =	stream.indirect.gather [spmem:s2], $0x80, s23, s10, $0xb8;
	[tilespmem:$0xE6E8] =	vst v63  }
0xa0: {  	_ =	swait.ge [sflag:s6], $0x1400  }
0xa1: {  	[sflag:s6] =	ssyncset.done $0x0  }
0xa2: {  	s21 =	sadd.s32 $0xFFFFFFB0, s15;
	[sflag:s6] =	ssyncadd.s32 $0xFFFFEC00  }
0xa3: {  	[tilespmem:s12], [sflag:$0x8] =	stream.indirect.gather [spmem:s2], $0x80, s21, s10, $0xb8;
	[tilespmem:$0xE6E8] =	vst v63  }
0xa4: {  	_ =	swait.ge [sflag:s11], $0x1400  }
0xa5: {  	[sflag:s11] =	ssyncset.done $0x0  }
0xa6: {  	s23 =	sadd.s32 $0xFFFFFFD8, s15;
	[sflag:s11] =	ssyncadd.s32 $0xFFFFEC00  }
0xa7: {  	[tilespmem:s14], [sflag:$0x9] =	stream.indirect.gather [spmem:s2], $0x80, s23, s10, $0xb8;
	[tilespmem:$0xE6E8] =	vst v63  }
.Ltmp3:
0xa8: {  	_ =	swait.ge [sflag:s13], $0x1400;
	(pc) =	sbr.rel .LBB2_2-.Ltmp3, $4  }
0xa9: {  	[sflag:s13] =	ssyncset.done $0x0  }
0xaa: {  	s17 =	sadd.s32 $0x1900, s17;
	s21 =	simm.s32 $0x1EE8;
	[sflag:s13] =	ssyncadd.s32 $0xFFFFEC00  }
0xab: {  	[tilespmem:s16], [sflag:$0xA] =	stream.indirect.gather [spmem:s2], $0x80, s15, s10, $0xb8;
	[tilespmem:$0xE6E8] =	vst v63  }
0xac: {  	s14 =	simm.s32 $0xBEE8;
	s15 =	sadd.s32 $0x190, s15;
	s16 =	simm.s32 $0xD2E8  }
.LBB2_5:
0xad: {  	_ =	sfence.sel $0x180000  }
0xae: {  	[bflag:$0x0] =	sbarrier.arrive $0xFFFF  }
0xaf: {  	_ =	strace $0x90000047  }
0xb0: {  	[bflag:$0x2] =	sbarrier.arrive $0xFFFF  }
0xb1: {  	s0 =	rddreg [dreg:$0x4]  }
0xb2: {  	s0 =	sadd.s32 @!p0 $0x100000, s0  }
0xb3: {  	[sflag:s0] =	ssyncadd.tile.s32 @!p0 $0x1;
	_ =	shalt  }
.Lfunc_end2:
_tile_overlayer_lowered:
.L_overlay_start_2:
0xb4: {  	(tag) =	ssettag $0x2  }
0xb5: {  	s0 =	rddreg [dreg:$0x0];
	s2 =	stileid.u32  }
0xb6: {  	s1 =	rddreg [dreg:$0x1];
	p0 =	sne.s32 s2, $0x0  }
0xb7: {  	s3 =	rddreg [dreg:$0x2];
	[bflag:$0x3] =	sbarrier.arrive $0xFFFF;
	s2 =	simm.s32 @!p0 $0x1C15  }
0xb8: {  	[timem:s3], [sflag:s2] =	dma.local @!p0 [hbm:s0], s1  }
0xb9: {  	s0 =	simm.s32 @!p0 $0x15  }
0xba: {  	_ =	swait.ge @!p0 [sflag:s0], s1  }
0xbb: {  	s1 =	ssub.s32 @!p0 $0x0, s1;
	[sflag:s0] =	ssyncset.done @!p0 $0x0  }
0xbc: {  	[sflag:s0] =	ssyncadd.s32 @!p0 s1  }
0xbd: {  	[bflag:$0x3] =	sbarrier.arrive $0xFFFF  }
0xbe: {  	_ =	shalt  }

</sc_bundles>
